<compile_context>
chip_gen: v7x
topology: tpu7x:2x2x1
jax: 0.10.2.dev20260603
libtpu: 0.0.44.dev20260713+nightly
codegen_flags: <defaults>
</compile_context>

<pallas_src>
import functools

import jax
import jax.numpy as jnp
import numpy as np
from jax import lax
from jax.experimental import pallas as pl
from jax.experimental.pallas import tpu as pltpu
from jax.experimental.pallas import tpu_sc as plsc

_L = 16
_T = 524288
_F = 2
_NPTS = 1048576
_MASK = _T - 1
_PY = np.int32(np.uint32(2654435761))
_PZ = np.int32(805459861)

_NC = 2
_NS = 16
_NW = _NC * _NS
_PTSW = _NPTS // _NW
_B = 1024
_NBLK = _PTSW // _B
_NSTRIP = _B // 16
_NPAIR = _B // 8
_GCH = 256
_NCHUNK = _B // _GCH


def _hash_grid_body(x1, tab, res, out,
                    xb, wx, wy, wz, idx, rows, resvm, outv, sem):
    wid = lax.axis_index("s") * _NC + lax.axis_index("c")
    pltpu.sync_copy(res, resvm)

    lane = lax.iota(jnp.int32, 16)
    dup = lane >> 1
    par = lane & 1
    lane3 = lane * 3

    def blk_body(blk, carry):
        base = wid * _PTSW + blk * _B
        pltpu.sync_copy(x1.at[pl.ds(base * 3, _B * 3)], xb)

        def lvl_body(l, carry2):
            resv = resvm[l]
            lvoff = jnp.full((16,), l * _T, jnp.int32)

            def strip(s, c3):
                sl = pl.ds(s * 16, 16)
                i3 = s * 48 + lane3
                sx = plsc.load_gather(xb, [i3]) * resv
                sy = plsc.load_gather(xb, [i3 + 1]) * resv
                sz = plsc.load_gather(xb, [i3 + 2]) * resv
                ix = sx.astype(jnp.int32)
                iy = sy.astype(jnp.int32)
                iz = sz.astype(jnp.int32)
                wx[sl] = sx - ix.astype(jnp.float32)
                wy[sl] = sy - iy.astype(jnp.float32)
                wz[sl] = sz - iz.astype(jnp.float32)
                hy0 = iy * _PY
                hy1 = hy0 + _PY
                hz0 = iz * _PZ
                hz1 = hz0 + _PZ
                ix1 = ix + 1
                m = jnp.int32(_MASK)
                idx[0, sl] = ((ix ^ hy0 ^ hz0) & m) + lvoff
                idx[1, sl] = ((ix ^ hy0 ^ hz1) & m) + lvoff
                idx[2, sl] = ((ix ^ hy1 ^ hz0) & m) + lvoff
                idx[3, sl] = ((ix ^ hy1 ^ hz1) & m) + lvoff
                idx[4, sl] = ((ix1 ^ hy0 ^ hz0) & m) + lvoff
                idx[5, sl] = ((ix1 ^ hy0 ^ hz1) & m) + lvoff
                idx[6, sl] = ((ix1 ^ hy1 ^ hz0) & m) + lvoff
                idx[7, sl] = ((ix1 ^ hy1 ^ hz1) & m) + lvoff
                return c3

            lax.fori_loop(0, _NSTRIP, strip, 0)

            copies = []
            for c in range(8):
                for j in range(_NCHUNK):
                    sl = pl.ds(j * _GCH, _GCH)
                    copies.append(pltpu.async_copy(
                        tab.at[idx.at[c, sl]], rows.at[c, sl, :], sem))
            for cp in copies:
                cp.wait()

            feat = 2 * l + par

            def pair(t, c3):
                p = t * 8 + dup
                wxd = plsc.load_gather(wx, [p])
                wyd = plsc.load_gather(wy, [p])
                wzd = plsc.load_gather(wz, [p])
                oxd = 1.0 - wxd
                oyd = 1.0 - wyd
                ozd = 1.0 - wzd
                a00 = oxd * oyd
                a01 = oxd * wyd
                a10 = wxd * oyd
                a11 = wxd * wyd
                acc = jnp.zeros((16,), jnp.float32)
                for c, axy, az in ((0, a00, ozd), (1, a00, wzd),
                                   (2, a01, ozd), (3, a01, wzd),
                                   (4, a10, ozd), (5, a10, wzd),
                                   (6, a11, ozd), (7, a11, wzd)):
                    cc = jnp.full((16,), c, jnp.int32)
                    v = plsc.load_gather(rows, [cc, p, par])
                    acc = acc + v * (axy * az)
                plsc.store_scatter(outv, [p, feat], acc)
                return c3

            lax.fori_loop(0, _NPAIR, pair, 0)
            return carry2

        lax.fori_loop(0, _L, lvl_body, 0)
        pltpu.sync_copy(outv, out.at[pl.ds(base, _B), :])
        return carry

    lax.fori_loop(0, _NBLK, blk_body, 0)


@functools.cache
def _build_sc_call():
    return functools.partial(
        pl.kernel,
        out_type=jax.ShapeDtypeStruct((_NPTS, 2 * _L), jnp.float32),
        mesh=plsc.VectorSubcoreMesh(core_axis_name="c", subcore_axis_name="s"),
        compiler_params=pltpu.CompilerParams(
            needs_layout_passes=False, use_tc_tiling_on_sc=False),
        scratch_types=[
            pltpu.VMEM((3 * _B,), jnp.float32),
            pltpu.VMEM((_B,), jnp.float32),
            pltpu.VMEM((_B,), jnp.float32),
            pltpu.VMEM((_B,), jnp.float32),
            pltpu.VMEM((8, _B), jnp.int32),
            pltpu.VMEM((8, _B, _F), jnp.float32),
            pltpu.VMEM((_L, 16), jnp.float32),
            pltpu.VMEM((_B, 2 * _L), jnp.float32),
            pltpu.SemaphoreType.DMA,
        ],
    )(_hash_grid_body)


def kernel(x, table, resolutions):
    x1 = x.reshape(_NPTS * 3)
    tab = table.reshape(_L * _T, _F)
    res16 = jnp.broadcast_to(resolutions[:, None].astype(jnp.float32), (_L, 16)) + 0.0
    return _build_sc_call()(x1, tab, res16)

# --- scband reference (transcript-rebuilt; emitter-appended) ---
"""Pipeline reference for scband-hash-grid-29119878267164 (READ-ONLY COPY).

The authoritative reference and input builder live on the scoring server;
editing this copy changes nothing except your own understanding.
"""

import jax, jax.numpy as jnp
import numpy as np

L = 16
T = 524288
F = 2
N_MIN = 16
N_MAX = 2048
N_ROWS = 1048576
PY = jnp.uint32(2654435761)
PZ = jnp.uint32(805459861)
TMASK = jnp.uint32(T - 1)


def setup_inputs(seed: int = 0) -> dict:
    key = jax.random.key(seed)
    k1, k2 = jax.random.split(key)
    x = jax.random.uniform(k1, (N_ROWS, 3), dtype=jnp.float32, minval=0.0, maxval=1.0)
    table = jax.random.uniform(k2, (L, T, F), dtype=jnp.float32, minval=-1e-4, maxval=1e-4)
    b = np.exp((np.log(N_MAX) - np.log(N_MIN)) / (L - 1))
    resolutions = jnp.asarray(np.floor(N_MIN * b ** np.arange(L)).astype(np.float32))
    return {"x": x, "table": table, "resolutions": resolutions}


def _hash(ix, iy, iz):
    return (ix ^ (iy * PY) ^ (iz * PZ)) & TMASK


def _encode_level(x, tab, N):
    s = x * N
    f = jnp.floor(s)
    w = s - f
    c0 = f.astype(jnp.uint32)
    c1 = c0 + jnp.uint32(1)
    x0, y0, z0 = c0[:, 0], c0[:, 1], c0[:, 2]
    x1, y1, z1 = c1[:, 0], c1[:, 1], c1[:, 2]
    wx, wy, wz = w[:, 0:1], w[:, 1:2], w[:, 2:3]
    ox, oy, oz = 1.0 - wx, 1.0 - wy, 1.0 - wz

    def g(idx):
        return jnp.take(tab, idx.astype(jnp.int32), axis=0)

    out = (g(_hash(x0, y0, z0)) * ox * oy * oz
           + g(_hash(x0, y0, z1)) * ox * oy * wz
           + g(_hash(x0, y1, z0)) * ox * wy * oz
           + g(_hash(x0, y1, z1)) * ox * wy * wz
           + g(_hash(x1, y0, z0)) * wx * oy * oz
           + g(_hash(x1, y0, z1)) * wx * oy * wz
           + g(_hash(x1, y1, z0)) * wx * wy * oz
           + g(_hash(x1, y1, z1)) * wx * wy * wz)
    return out


def reference(x, table, resolutions):
    outs = [_encode_level(x, table[l], resolutions[l]) for l in range(L)]
    return jnp.concatenate(outs, axis=1)

if __name__ == "__main__":
    import jax
    _d = setup_inputs()
    print(jax.jit(kernel)(*tuple(_d.values())))

</pallas_src>

<mosaic_0001>
#map = affine_map<(d0, d1) -> (0)>
#map1 = affine_map<(d0, d1) -> (0, 0)>
module attributes {stable_mosaic.version = 14 : i64} {
  func.func @_hash_grid_body(%arg0: i32, %arg1: i32, %arg2: memref<3145728xf32, #tpu.memory_space<hbm>>, %arg3: memref<8388608x2xf32, #tpu.memory_space<hbm>>, %arg4: memref<16x16xf32, #tpu.memory_space<hbm>>, %arg5: memref<1048576x32xf32, #tpu.memory_space<hbm>>, %arg6: memref<3072xf32, #tpu.memory_space<vmem>>, %arg7: memref<1024xf32, #tpu.memory_space<vmem>>, %arg8: memref<1024xf32, #tpu.memory_space<vmem>>, %arg9: memref<1024xf32, #tpu.memory_space<vmem>>, %arg10: memref<8x1024xi32, #tpu.memory_space<vmem>>, %arg11: memref<8x1024x2xf32, #tpu.memory_space<vmem>>, %arg12: memref<16x16xf32, #tpu.memory_space<vmem>>, %arg13: memref<1024x32xf32, #tpu.memory_space<vmem>>, %arg14: memref<!tpu.dma_semaphore, #tpu.memory_space<semaphore_mem>>) attributes {dimension_semantics = [#tpu.dimension_semantics<core_parallel>, #tpu.dimension_semantics<subcore_parallel>], iteration_bounds = array<i64: 2, 16>, scalar_prefetch = 0 : i64, scratch_operands = 9 : i64, tpu.core_type = #tpu.core_type<sc_vector_subcore>, window_params = [{transform_indices = #map}, {transform_indices = #map1}, {transform_indices = #map1}, {transform_indices = #map1}]} {
    %mul3A = arith.constant 2 : i32
    %mul3A_0 = arith.muli %arg1, %mul3A : i32
    %add3A = arith.addi %mul3A_0, %arg0 : i32
    "tpu.region"() ({
      %run_scoped3A = tpu.sem_alloc : memref<!tpu.dma_semaphore, #tpu.memory_space<semaphore_mem>>
      tpu.enqueue_dma source(%arg4 : memref<16x16xf32, #tpu.memory_space<hbm>>) target(%arg12 : memref<16x16xf32, #tpu.memory_space<vmem>>) target_semaphore(%run_scoped3A : memref<!tpu.dma_semaphore, #tpu.memory_space<semaphore_mem>>)
      tpu.wait_dma2 semaphore(%run_scoped3A : memref<!tpu.dma_semaphore, #tpu.memory_space<semaphore_mem>>) src(%arg4 : memref<16x16xf32, #tpu.memory_space<hbm>>) dst(%arg12 : memref<16x16xf32, #tpu.memory_space<vmem>>)
      tpu.yield
    }) : () -> ()
    %iota3A = tpu.iota {dimensions = array<i32: 0>} : vector<16xi32>
    %shift_right_arithmetic3A = arith.constant 1 : i32
    %shift_right_arithmetic3A_1 = vector.broadcast %shift_right_arithmetic3A : i32 to vector<16xi32>
    %shift_right_arithmetic3A_2 = arith.shrsi %iota3A, %shift_right_arithmetic3A_1 : vector<16xi32>
    %and3A = arith.constant 1 : i32
    %and3A_3 = vector.broadcast %and3A : i32 to vector<16xi32>
    %and3A_4 = arith.andi %iota3A, %and3A_3 : vector<16xi32>
    %mul3A_5 = arith.constant 3 : i32
    %mul3A_6 = vector.broadcast %mul3A_5 : i32 to vector<16xi32>
    %mul3A_7 = arith.muli %iota3A, %mul3A_6 : vector<16xi32>
    %scan3A = arith.constant 0 : i32
    %scan3A_8 = arith.constant 0 : i32
    %scan3A_9 = arith.constant 32 : i32
    %scan3A_10 = arith.addi %scan3A_8, %scan3A_9 : i32
    %scan3A_11 = arith.constant 1 : i32
    scf.for %scan3A_13 = %scan3A_8 to %scan3A_10 step %scan3A_11  : i32 {
      %mul3A_14 = arith.constant 32768 : i32
      %mul3A_15 = arith.muli %add3A, %mul3A_14 : i32
      %mul3A_16 = arith.constant 1024 : i32
      %mul3A_17 = arith.muli %scan3A_13, %mul3A_16 : i32
      %add3A_18 = arith.addi %mul3A_15, %mul3A_17 : i32
      %mul3A_19 = arith.constant 3 : i32
      %mul3A_20 = arith.muli %add3A_18, %mul3A_19 : i32
      "tpu.region"() ({
        %run_scoped3A = tpu.sem_alloc : memref<!tpu.dma_semaphore, #tpu.memory_space<semaphore_mem>>
        %dma_start3A = tpu.memref_slice %arg2[%mul3A_20] : memref<3145728xf32, #tpu.memory_space<hbm>> -> memref<3072xf32, #tpu.memory_space<hbm>>
        %dma_start3A_27 = tpu.memref_slice %arg2[%mul3A_20] : memref<3145728xf32, #tpu.memory_space<hbm>> -> memref<3072xf32, #tpu.memory_space<hbm>>
        tpu.enqueue_dma source(%dma_start3A_27 : memref<3072xf32, #tpu.memory_space<hbm>>) target(%arg6 : memref<3072xf32, #tpu.memory_space<vmem>>) target_semaphore(%run_scoped3A : memref<!tpu.dma_semaphore, #tpu.memory_space<semaphore_mem>>)
        %dma_wait3A = tpu.memref_slice %arg2[%mul3A_20] : memref<3145728xf32, #tpu.memory_space<hbm>> -> memref<3072xf32, #tpu.memory_space<hbm>>
        %dma_wait3A_28 = tpu.memref_slice %arg2[%mul3A_20] : memref<3145728xf32, #tpu.memory_space<hbm>> -> memref<3072xf32, #tpu.memory_space<hbm>>
        tpu.wait_dma2 semaphore(%run_scoped3A : memref<!tpu.dma_semaphore, #tpu.memory_space<semaphore_mem>>) src(%dma_wait3A_28 : memref<3072xf32, #tpu.memory_space<hbm>>) dst(%arg6 : memref<3072xf32, #tpu.memory_space<vmem>>)
        tpu.yield
      }) : () -> ()
      %scan3A_21 = arith.constant 0 : i32
      %scan3A_22 = arith.constant 0 : i32
      %scan3A_23 = arith.constant 16 : i32
      %scan3A_24 = arith.addi %scan3A_22, %scan3A_23 : i32
      %scan3A_25 = arith.constant 1 : i32
      scf.for %scan3A_27 = %scan3A_22 to %scan3A_24 step %scan3A_25  : i32 {
        %get3A = arith.index_cast %scan3A_27 : i32 to index
        %get3A_28 = arith.constant 0 : index
        %get3A_29 = tpu.vector_load %arg12[%get3A, %get3A_28] {strides = array<i32>} : memref<16x16xf32, #tpu.memory_space<vmem>>, vector<16xf32>,
        %mul3A_30 = arith.constant 524288 : i32
        %mul3A_31 = arith.muli %scan3A_27, %mul3A_30 : i32
        %broadcast_in_dim3A = vector.broadcast %mul3A_31 : i32 to vector<16xi32>
        %scan3A_32 = arith.constant 0 : i32
        %scan3A_33 = arith.constant 0 : i32
        %scan3A_34 = arith.constant 64 : i32
        %scan3A_35 = arith.addi %scan3A_33, %scan3A_34 : i32
        %scan3A_36 = arith.constant 1 : i32
        scf.for %scan3A_814 = %scan3A_33 to %scan3A_35 step %scan3A_36  : i32 {
          %mul3A_815 = arith.constant 16 : i32
          %mul3A_816 = arith.muli %scan3A_814, %mul3A_815 : i32
          %mul3A_817 = arith.constant 48 : i32
          %mul3A_818 = arith.muli %scan3A_814, %mul3A_817 : i32
          %add3A_819 = vector.broadcast %mul3A_818 : i32 to vector<16xi32>
          %add3A_820 = arith.addi %add3A_819, %mul3A_7 : vector<16xi32>
          %gather3A = tpu.vector_load_idx %arg6[%add3A_820] : memref<3072xf32, #tpu.memory_space<vmem>>[vector<16xi32>], vector<16xf32>,
          %mul3A_821 = arith.mulf %gather3A, %get3A_29 : vector<16xf32>
          %add3A_822 = arith.constant 1 : i32
          %add3A_823 = vector.broadcast %add3A_822 : i32 to vector<16xi32>
          %add3A_824 = arith.addi %add3A_820, %add3A_823 : vector<16xi32>
          %gather3A_825 = tpu.vector_load_idx %arg6[%add3A_824] : memref<3072xf32, #tpu.memory_space<vmem>>[vector<16xi32>], vector<16xf32>,
          %mul3A_826 = arith.mulf %gather3A_825, %get3A_29 : vector<16xf32>
          %add3A_827 = arith.constant 2 : i32
          %add3A_828 = vector.broadcast %add3A_827 : i32 to vector<16xi32>
          %add3A_829 = arith.addi %add3A_820, %add3A_828 : vector<16xi32>
          %gather3A_830 = tpu.vector_load_idx %arg6[%add3A_829] : memref<3072xf32, #tpu.memory_space<vmem>>[vector<16xi32>], vector<16xf32>,
          %mul3A_831 = arith.mulf %gather3A_830, %get3A_29 : vector<16xf32>
          %convert_element_type3A = arith.fptosi %mul3A_821 : vector<16xf32> to vector<16xi32>
          %convert_element_type3A_832 = arith.fptosi %mul3A_826 : vector<16xf32> to vector<16xi32>
          %convert_element_type3A_833 = arith.fptosi %mul3A_831 : vector<16xf32> to vector<16xi32>
          %convert_element_type3A_834 = arith.sitofp %convert_element_type3A : vector<16xi32> to vector<16xf32>
          %sub3A = arith.subf %mul3A_821, %convert_element_type3A_834 : vector<16xf32>
          %swap3A = arith.index_cast %mul3A_816 : i32 to index
          %swap3A_835 = tpu.vector_load %arg7[%swap3A] {strides = array<i32>} : memref<1024xf32, #tpu.memory_space<vmem>>, vector<16xf32>,
          tpu.vector_store %arg7[%swap3A], %sub3A {strides = array<i32>} : memref<1024xf32, #tpu.memory_space<vmem>>, vector<16xf32>,
          %convert_element_type3A_836 = arith.sitofp %convert_element_type3A_832 : vector<16xi32> to vector<16xf32>
          %sub3A_837 = arith.subf %mul3A_826, %convert_element_type3A_836 : vector<16xf32>
          %swap3A_838 = arith.index_cast %mul3A_816 : i32 to index
          %swap3A_839 = tpu.vector_load %arg8[%swap3A_838] {strides = array<i32>} : memref<1024xf32, #tpu.memory_space<vmem>>, vector<16xf32>,
          tpu.vector_store %arg8[%swap3A_838], %sub3A_837 {strides = array<i32>} : memref<1024xf32, #tpu.memory_space<vmem>>, vector<16xf32>,
          %convert_element_type3A_840 = arith.sitofp %convert_element_type3A_833 : vector<16xi32> to vector<16xf32>
          %sub3A_841 = arith.subf %mul3A_831, %convert_element_type3A_840 : vector<16xf32>
          %swap3A_842 = arith.index_cast %mul3A_816 : i32 to index
          %swap3A_843 = tpu.vector_load %arg9[%swap3A_842] {strides = array<i32>} : memref<1024xf32, #tpu.memory_space<vmem>>, vector<16xf32>,
          tpu.vector_store %arg9[%swap3A_842], %sub3A_841 {strides = array<i32>} : memref<1024xf32, #tpu.memory_space<vmem>>, vector<16xf32>,
          %mul3A_844 = arith.constant -1640531535 : i32
          %mul3A_845 = vector.broadcast %mul3A_844 : i32 to vector<16xi32>
          %mul3A_846 = arith.muli %convert_element_type3A_832, %mul3A_845 : vector<16xi32>
          %add3A_847 = arith.constant -1640531535 : i32
          %add3A_848 = vector.broadcast %add3A_847 : i32 to vector<16xi32>
          %add3A_849 = arith.addi %mul3A_846, %add3A_848 : vector<16xi32>
          %mul3A_850 = arith.constant 805459861 : i32
          %mul3A_851 = vector.broadcast %mul3A_850 : i32 to vector<16xi32>
          %mul3A_852 = arith.muli %convert_element_type3A_833, %mul3A_851 : vector<16xi32>
          %add3A_853 = arith.constant 805459861 : i32
          %add3A_854 = vector.broadcast %add3A_853 : i32 to vector<16xi32>
          %add3A_855 = arith.addi %mul3A_852, %add3A_854 : vector<16xi32>
          %add3A_856 = arith.constant 1 : i32
          %add3A_857 = vector.broadcast %add3A_856 : i32 to vector<16xi32>
          %add3A_858 = arith.addi %convert_element_type3A, %add3A_857 : vector<16xi32>
          %xor3A = arith.xori %convert_element_type3A, %mul3A_846 : vector<16xi32>
          %xor3A_859 = arith.xori %xor3A, %mul3A_852 : vector<16xi32>
          %and3A_860 = arith.constant 524287 : i32
          %and3A_861 = vector.broadcast %and3A_860 : i32 to vector<16xi32>
          %and3A_862 = arith.andi %xor3A_859, %and3A_861 : vector<16xi32>
          %add3A_863 = arith.addi %and3A_862, %broadcast_in_dim3A : vector<16xi32>
          %swap3A_864 = arith.constant 0 : i32
          %swap3A_865 = arith.index_cast %swap3A_864 : i32 to index
          %swap3A_866 = arith.index_cast %mul3A_816 : i32 to index
          %swap3A_867 = tpu.vector_load %arg10[%swap3A_865, %swap3A_866] {strides = array<i32>} : memref<8x1024xi32, #tpu.memory_space<vmem>>, vector<16xi32>,
          tpu.vector_store %arg10[%swap3A_865, %swap3A_866], %add3A_863 {strides = array<i32>} : memref<8x1024xi32, #tpu.memory_space<vmem>>, vector<16xi32>,
          %xor3A_868 = arith.xori %convert_element_type3A, %mul3A_846 : vector<16xi32>
          %xor3A_869 = arith.xori %xor3A_868, %add3A_855 : vector<16xi32>
          %and3A_870 = arith.constant 524287 : i32
          %and3A_871 = vector.broadcast %and3A_870 : i32 to vector<16xi32>
          %and3A_872 = arith.andi %xor3A_869, %and3A_871 : vector<16xi32>
          %add3A_873 = arith.addi %and3A_872, %broadcast_in_dim3A : vector<16xi32>
          %swap3A_874 = arith.constant 1 : i32
          %swap3A_875 = arith.index_cast %swap3A_874 : i32 to index
          %swap3A_876 = arith.index_cast %mul3A_816 : i32 to index
          %swap3A_877 = tpu.vector_load %arg10[%swap3A_875, %swap3A_876] {strides = array<i32>} : memref<8x1024xi32, #tpu.memory_space<vmem>>, vector<16xi32>,
          tpu.vector_store %arg10[%swap3A_875, %swap3A_876], %add3A_873 {strides = array<i32>} : memref<8x1024xi32, #tpu.memory_space<vmem>>, vector<16xi32>,
          %xor3A_878 = arith.xori %convert_element_type3A, %add3A_849 : vector<16xi32>
          %xor3A_879 = arith.xori %xor3A_878, %mul3A_852 : vector<16xi32>
          %and3A_880 = arith.constant 524287 : i32
          %and3A_881 = vector.broadcast %and3A_880 : i32 to vector<16xi32>
          %and3A_882 = arith.andi %xor3A_879, %and3A_881 : vector<16xi32>
          %add3A_883 = arith.addi %and3A_882, %broadcast_in_dim3A : vector<16xi32>
          %swap3A_884 = arith.constant 2 : i32
          %swap3A_885 = arith.index_cast %swap3A_884 : i32 to index
          %swap3A_886 = arith.index_cast %mul3A_816 : i32 to index
          %swap3A_887 = tpu.vector_load %arg10[%swap3A_885, %swap3A_886] {strides = array<i32>} : memref<8x1024xi32, #tpu.memory_space<vmem>>, vector<16xi32>,
          tpu.vector_store %arg10[%swap3A_885, %swap3A_886], %add3A_883 {strides = array<i32>} : memref<8x1024xi32, #tpu.memory_space<vmem>>, vector<16xi32>,
          %xor3A_888 = arith.xori %convert_element_type3A, %add3A_849 : vector<16xi32>
          %xor3A_889 = arith.xori %xor3A_888, %add3A_855 : vector<16xi32>
          %and3A_890 = arith.constant 524287 : i32
          %and3A_891 = vector.broadcast %and3A_890 : i32 to vector<16xi32>
          %and3A_892 = arith.andi %xor3A_889, %and3A_891 : vector<16xi32>
          %add3A_893 = arith.addi %and3A_892, %broadcast_in_dim3A : vector<16xi32>
          %swap3A_894 = arith.constant 3 : i32
          %swap3A_895 = arith.index_cast %swap3A_894 : i32 to index
          %swap3A_896 = arith.index_cast %mul3A_816 : i32 to index
          %swap3A_897 = tpu.vector_load %arg10[%swap3A_895, %swap3A_896] {strides = array<i32>} : memref<8x1024xi32, #tpu.memory_space<vmem>>, vector<16xi32>,
          tpu.vector_store %arg10[%swap3A_895, %swap3A_896], %add3A_893 {strides = array<i32>} : memref<8x1024xi32, #tpu.memory_space<vmem>>, vector<16xi32>,
          %xor3A_898 = arith.xori %add3A_858, %mul3A_846 : vector<16xi32>
          %xor3A_899 = arith.xori %xor3A_898, %mul3A_852 : vector<16xi32>
          %and3A_900 = arith.constant 524287 : i32
          %and3A_901 = vector.broadcast %and3A_900 : i32 to vector<16xi32>
          %and3A_902 = arith.andi %xor3A_899, %and3A_901 : vector<16xi32>
          %add3A_903 = arith.addi %and3A_902, %broadcast_in_dim3A : vector<16xi32>
          %swap3A_904 = arith.constant 4 : i32
          %swap3A_905 = arith.index_cast %swap3A_904 : i32 to index
          %swap3A_906 = arith.index_cast %mul3A_816 : i32 to index
          %swap3A_907 = tpu.vector_load %arg10[%swap3A_905, %swap3A_906] {strides = array<i32>} : memref<8x1024xi32, #tpu.memory_space<vmem>>, vector<16xi32>,
          tpu.vector_store %arg10[%swap3A_905, %swap3A_906], %add3A_903 {strides = array<i32>} : memref<8x1024xi32, #tpu.memory_space<vmem>>, vector<16xi32>,
          %xor3A_908 = arith.xori %add3A_858, %mul3A_846 : vector<16xi32>
          %xor3A_909 = arith.xori %xor3A_908, %add3A_855 : vector<16xi32>
          %and3A_910 = arith.constant 524287 : i32
          %and3A_911 = vector.broadcast %and3A_910 : i32 to vector<16xi32>
          %and3A_912 = arith.andi %xor3A_909, %and3A_911 : vector<16xi32>
          %add3A_913 = arith.addi %and3A_912, %broadcast_in_dim3A : vector<16xi32>
          %swap3A_914 = arith.constant 5 : i32
          %swap3A_915 = arith.index_cast %swap3A_914 : i32 to index
          %swap3A_916 = arith.index_cast %mul3A_816 : i32 to index
          %swap3A_917 = tpu.vector_load %arg10[%swap3A_915, %swap3A_916] {strides = array<i32>} : memref<8x1024xi32, #tpu.memory_space<vmem>>, vector<16xi32>,
          tpu.vector_store %arg10[%swap3A_915, %swap3A_916], %add3A_913 {strides = array<i32>} : memref<8x1024xi32, #tpu.memory_space<vmem>>, vector<16xi32>,
          %xor3A_918 = arith.xori %add3A_858, %add3A_849 : vector<16xi32>
          %xor3A_919 = arith.xori %xor3A_918, %mul3A_852 : vector<16xi32>
          %and3A_920 = arith.constant 524287 : i32
          %and3A_921 = vector.broadcast %and3A_920 : i32 to vector<16xi32>
          %and3A_922 = arith.andi %xor3A_919, %and3A_921 : vector<16xi32>
          %add3A_923 = arith.addi %and3A_922, %broadcast_in_dim3A : vector<16xi32>
          %swap3A_924 = arith.constant 6 : i32
          %swap3A_925 = arith.index_cast %swap3A_924 : i32 to index
          %swap3A_926 = arith.index_cast %mul3A_816 : i32 to index
          %swap3A_927 = tpu.vector_load %arg10[%swap3A_925, %swap3A_926] {strides = array<i32>} : memref<8x1024xi32, #tpu.memory_space<vmem>>, vector<16xi32>,
          tpu.vector_store %arg10[%swap3A_925, %swap3A_926], %add3A_923 {strides = array<i32>} : memref<8x1024xi32, #tpu.memory_space<vmem>>, vector<16xi32>,
          %xor3A_928 = arith.xori %add3A_858, %add3A_849 : vector<16xi32>
          %xor3A_929 = arith.xori %xor3A_928, %add3A_855 : vector<16xi32>
          %and3A_930 = arith.constant 524287 : i32
          %and3A_931 = vector.broadcast %and3A_930 : i32 to vector<16xi32>
          %and3A_932 = arith.andi %xor3A_929, %and3A_931 : vector<16xi32>
          %add3A_933 = arith.addi %and3A_932, %broadcast_in_dim3A : vector<16xi32>
          %swap3A_934 = arith.constant 7 : i32
          %swap3A_935 = arith.index_cast %swap3A_934 : i32 to index
          %swap3A_936 = arith.index_cast %mul3A_816 : i32 to index
          %swap3A_937 = tpu.vector_load %arg10[%swap3A_935, %swap3A_936] {strides = array<i32>} : memref<8x1024xi32, #tpu.memory_space<vmem>>, vector<16xi32>,
          tpu.vector_store %arg10[%swap3A_935, %swap3A_936], %add3A_933 {strides = array<i32>} : memref<8x1024xi32, #tpu.memory_space<vmem>>, vector<16xi32>,
        }
        %scan3A_37 = arith.constant 64 : i32
        %dma_start3A = arith.constant 0 : i32
        %dma_start3A_38 = arith.constant 0 : i32
        %dma_start3A_39 = arith.constant 0 : i32
        %dma_start3A_40 = arith.constant 0 : i32
        %dma_start3A_41 = tpu.memref_slice %arg11[%dma_start3A_38, %dma_start3A_39, %dma_start3A_40] : memref<8x1024x2xf32, #tpu.memory_space<vmem>> -> memref<1x256x2xf32, #tpu.memory_space<vmem>>
        %dma_start3A_42 = tpu.memref_squeeze %dma_start3A_41 : memref<1x256x2xf32, #tpu.memory_space<vmem>> -> memref<256x2xf32, #tpu.memory_space<vmem>>
        %dma_start3A_43 = arith.constant 0 : i32
        %dma_start3A_44 = tpu.memref_slice %arg10[%dma_start3A, %dma_start3A_43] : memref<8x1024xi32, #tpu.memory_space<vmem>> -> memref<1x256xi32, #tpu.memory_space<vmem>>
        %dma_start3A_45 = tpu.memref_squeeze %dma_start3A_44 : memref<1x256xi32, #tpu.memory_space<vmem>> -> memref<256xi32, #tpu.memory_space<vmem>>
        %dma_start3A_46 = arith.constant 0 : i32
        %dma_start3A_47 = arith.constant 0 : i32
        %dma_start3A_48 = tpu.memref_slice %arg3[%dma_start3A_46, %dma_start3A_47] : memref<8388608x2xf32, #tpu.memory_space<hbm>> -> memref<8388608x2xf32, #tpu.memory_space<hbm>>
        tpu.enqueue_indirect_dma source(%dma_start3A_48 : memref<8388608x2xf32, #tpu.memory_space<hbm>>) target(%dma_start3A_42 : memref<256x2xf32, #tpu.memory_space<vmem>>) offsets(%dma_start3A_45 : memref<256xi32, #tpu.memory_space<vmem>>) semaphore(%arg14 : memref<!tpu.dma_semaphore, #tpu.memory_space<semaphore_mem>>)
        %dma_start3A_49 = arith.constant 0 : i32
        %dma_start3A_50 = arith.constant 0 : i32
        %dma_start3A_51 = arith.constant 256 : i32
        %dma_start3A_52 = arith.constant 0 : i32
        %dma_start3A_53 = tpu.memref_slice %arg11[%dma_start3A_50, %dma_start3A_51, %dma_start3A_52] : memref<8x1024x2xf32, #tpu.memory_space<vmem>> -> memref<1x256x2xf32, #tpu.memory_space<vmem>>
        %dma_start3A_54 = tpu.memref_squeeze %dma_start3A_53 : memref<1x256x2xf32, #tpu.memory_space<vmem>> -> memref<256x2xf32, #tpu.memory_space<vmem>>
        %dma_start3A_55 = arith.constant 256 : i32
        %dma_start3A_56 = tpu.memref_slice %arg10[%dma_start3A_49, %dma_start3A_55] : memref<8x1024xi32, #tpu.memory_space<vmem>> -> memref<1x256xi32, #tpu.memory_space<vmem>>
        %dma_start3A_57 = tpu.memref_squeeze %dma_start3A_56 : memref<1x256xi32, #tpu.memory_space<vmem>> -> memref<256xi32, #tpu.memory_space<vmem>>
        %dma_start3A_58 = arith.constant 0 : i32
        %dma_start3A_59 = arith.constant 0 : i32
        %dma_start3A_60 = tpu.memref_slice %arg3[%dma_start3A_58, %dma_start3A_59] : memref<8388608x2xf32, #tpu.memory_space<hbm>> -> memref<8388608x2xf32, #tpu.memory_space<hbm>>
        tpu.enqueue_indirect_dma source(%dma_start3A_60 : memref<8388608x2xf32, #tpu.memory_space<hbm>>) target(%dma_start3A_54 : memref<256x2xf32, #tpu.memory_space<vmem>>) offsets(%dma_start3A_57 : memref<256xi32, #tpu.memory_space<vmem>>) semaphore(%arg14 : memref<!tpu.dma_semaphore, #tpu.memory_space<semaphore_mem>>)
        %dma_start3A_61 = arith.constant 0 : i32
        %dma_start3A_62 = arith.constant 0 : i32
        %dma_start3A_63 = arith.constant 512 : i32
        %dma_start3A_64 = arith.constant 0 : i32
        %dma_start3A_65 = tpu.memref_slice %arg11[%dma_start3A_62, %dma_start3A_63, %dma_start3A_64] : memref<8x1024x2xf32, #tpu.memory_space<vmem>> -> memref<1x256x2xf32, #tpu.memory_space<vmem>>
        %dma_start3A_66 = tpu.memref_squeeze %dma_start3A_65 : memref<1x256x2xf32, #tpu.memory_space<vmem>> -> memref<256x2xf32, #tpu.memory_space<vmem>>
        %dma_start3A_67 = arith.constant 512 : i32
        %dma_start3A_68 = tpu.memref_slice %arg10[%dma_start3A_61, %dma_start3A_67] : memref<8x1024xi32, #tpu.memory_space<vmem>> -> memref<1x256xi32, #tpu.memory_space<vmem>>
        %dma_start3A_69 = tpu.memref_squeeze %dma_start3A_68 : memref<1x256xi32, #tpu.memory_space<vmem>> -> memref<256xi32, #tpu.memory_space<vmem>>
        %dma_start3A_70 = arith.constant 0 : i32
        %dma_start3A_71 = arith.constant 0 : i32
        %dma_start3A_72 = tpu.memref_slice %arg3[%dma_start3A_70, %dma_start3A_71] : memref<8388608x2xf32, #tpu.memory_space<hbm>> -> memref<8388608x2xf32, #tpu.memory_space<hbm>>
        tpu.enqueue_indirect_dma source(%dma_start3A_72 : memref<8388608x2xf32, #tpu.memory_space<hbm>>) target(%dma_start3A_66 : memref<256x2xf32, #tpu.memory_space<vmem>>) offsets(%dma_start3A_69 : memref<256xi32, #tpu.memory_space<vmem>>) semaphore(%arg14 : memref<!tpu.dma_semaphore, #tpu.memory_space<semaphore_mem>>)
        %dma_start3A_73 = arith.constant 0 : i32
        %dma_start3A_74 = arith.constant 0 : i32
        %dma_start3A_75 = arith.constant 768 : i32
        %dma_start3A_76 = arith.constant 0 : i32
        %dma_start3A_77 = tpu.memref_slice %arg11[%dma_start3A_74, %dma_start3A_75, %dma_start3A_76] : memref<8x1024x2xf32, #tpu.memory_space<vmem>> -> memref<1x256x2xf32, #tpu.memory_space<vmem>>
        %dma_start3A_78 = tpu.memref_squeeze %dma_start3A_77 : memref<1x256x2xf32, #tpu.memory_space<vmem>> -> memref<256x2xf32, #tpu.memory_space<vmem>>
        %dma_start3A_79 = arith.constant 768 : i32
        %dma_start3A_80 = tpu.memref_slice %arg10[%dma_start3A_73, %dma_start3A_79] : memref<8x1024xi32, #tpu.memory_space<vmem>> -> memref<1x256xi32, #tpu.memory_space<vmem>>
        %dma_start3A_81 = tpu.memref_squeeze %dma_start3A_80 : memref<1x256xi32, #tpu.memory_space<vmem>> -> memref<256xi32, #tpu.memory_space<vmem>>
        %dma_start3A_82 = arith.constant 0 : i32
        %dma_start3A_83 = arith.constant 0 : i32
        %dma_start3A_84 = tpu.memref_slice %arg3[%dma_start3A_82, %dma_start3A_83] : memref<8388608x2xf32, #tpu.memory_space<hbm>> -> memref<8388608x2xf32, #tpu.memory_space<hbm>>
        tpu.enqueue_indirect_dma source(%dma_start3A_84 : memref<8388608x2xf32, #tpu.memory_space<hbm>>) target(%dma_start3A_78 : memref<256x2xf32, #tpu.memory_space<vmem>>) offsets(%dma_start3A_81 : memref<256xi32, #tpu.memory_space<vmem>>) semaphore(%arg14 : memref<!tpu.dma_semaphore, #tpu.memory_space<semaphore_mem>>)
        %dma_start3A_85 = arith.constant 1 : i32
        %dma_start3A_86 = arith.constant 1 : i32
        %dma_start3A_87 = arith.constant 0 : i32
        %dma_start3A_88 = arith.constant 0 : i32
        %dma_start3A_89 = tpu.memref_slice %arg11[%dma_start3A_86, %dma_start3A_87, %dma_start3A_88] : memref<8x1024x2xf32, #tpu.memory_space<vmem>> -> memref<1x256x2xf32, #tpu.memory_space<vmem>>
        %dma_start3A_90 = tpu.memref_squeeze %dma_start3A_89 : memref<1x256x2xf32, #tpu.memory_space<vmem>> -> memref<256x2xf32, #tpu.memory_space<vmem>>
        %dma_start3A_91 = arith.constant 0 : i32
        %dma_start3A_92 = tpu.memref_slice %arg10[%dma_start3A_85, %dma_start3A_91] : memref<8x1024xi32, #tpu.memory_space<vmem>> -> memref<1x256xi32, #tpu.memory_space<vmem>>
        %dma_start3A_93 = tpu.memref_squeeze %dma_start3A_92 : memref<1x256xi32, #tpu.memory_space<vmem>> -> memref<256xi32, #tpu.memory_space<vmem>>
        %dma_start3A_94 = arith.constant 0 : i32
        %dma_start3A_95 = arith.constant 0 : i32
        %dma_start3A_96 = tpu.memref_slice %arg3[%dma_start3A_94, %dma_start3A_95] : memref<8388608x2xf32, #tpu.memory_space<hbm>> -> memref<8388608x2xf32, #tpu.memory_space<hbm>>
        tpu.enqueue_indirect_dma source(%dma_start3A_96 : memref<8388608x2xf32, #tpu.memory_space<hbm>>) target(%dma_start3A_90 : memref<256x2xf32, #tpu.memory_space<vmem>>) offsets(%dma_start3A_93 : memref<256xi32, #tpu.memory_space<vmem>>) semaphore(%arg14 : memref<!tpu.dma_semaphore, #tpu.memory_space<semaphore_mem>>)
        %dma_start3A_97 = arith.constant 1 : i32
        %dma_start3A_98 = arith.constant 1 : i32
        %dma_start3A_99 = arith.constant 256 : i32
        %dma_start3A_100 = arith.constant 0 : i32
        %dma_start3A_101 = tpu.memref_slice %arg11[%dma_start3A_98, %dma_start3A_99, %dma_start3A_100] : memref<8x1024x2xf32, #tpu.memory_space<vmem>> -> memref<1x256x2xf32, #tpu.memory_space<vmem>>
        %dma_start3A_102 = tpu.memref_squeeze %dma_start3A_101 : memref<1x256x2xf32, #tpu.memory_space<vmem>> -> memref<256x2xf32, #tpu.memory_space<vmem>>
        %dma_start3A_103 = arith.constant 256 : i32
        %dma_start3A_104 = tpu.memref_slice %arg10[%dma_start3A_97, %dma_start3A_103] : memref<8x1024xi32, #tpu.memory_space<vmem>> -> memref<1x256xi32, #tpu.memory_space<vmem>>
        %dma_start3A_105 = tpu.memref_squeeze %dma_start3A_104 : memref<1x256xi32, #tpu.memory_space<vmem>> -> memref<256xi32, #tpu.memory_space<vmem>>
        %dma_start3A_106 = arith.constant 0 : i32
        %dma_start3A_107 = arith.constant 0 : i32
        %dma_start3A_108 = tpu.memref_slice %arg3[%dma_start3A_106, %dma_start3A_107] : memref<8388608x2xf32, #tpu.memory_space<hbm>> -> memref<8388608x2xf32, #tpu.memory_space<hbm>>
        tpu.enqueue_indirect_dma source(%dma_start3A_108 : memref<8388608x2xf32, #tpu.memory_space<hbm>>) target(%dma_start3A_102 : memref<256x2xf32, #tpu.memory_space<vmem>>) offsets(%dma_start3A_105 : memref<256xi32, #tpu.memory_space<vmem>>) semaphore(%arg14 : memref<!tpu.dma_semaphore, #tpu.memory_space<semaphore_mem>>)
        %dma_start3A_109 = arith.constant 1 : i32
        %dma_start3A_110 = arith.constant 1 : i32
        %dma_start3A_111 = arith.constant 512 : i32
        %dma_start3A_112 = arith.constant 0 : i32
        %dma_start3A_113 = tpu.memref_slice %arg11[%dma_start3A_110, %dma_start3A_111, %dma_start3A_112] : memref<8x1024x2xf32, #tpu.memory_space<vmem>> -> memref<1x256x2xf32, #tpu.memory_space<vmem>>
        %dma_start3A_114 = tpu.memref_squeeze %dma_start3A_113 : memref<1x256x2xf32, #tpu.memory_space<vmem>> -> memref<256x2xf32, #tpu.memory_space<vmem>>
        %dma_start3A_115 = arith.constant 512 : i32
        %dma_start3A_116 = tpu.memref_slice %arg10[%dma_start3A_109, %dma_start3A_115] : memref<8x1024xi32, #tpu.memory_space<vmem>> -> memref<1x256xi32, #tpu.memory_space<vmem>>
        %dma_start3A_117 = tpu.memref_squeeze %dma_start3A_116 : memref<1x256xi32, #tpu.memory_space<vmem>> -> memref<256xi32, #tpu.memory_space<vmem>>
        %dma_start3A_118 = arith.constant 0 : i32
        %dma_start3A_119 = arith.constant 0 : i32
        %dma_start3A_120 = tpu.memref_slice %arg3[%dma_start3A_118, %dma_start3A_119] : memref<8388608x2xf32, #tpu.memory_space<hbm>> -> memref<8388608x2xf32, #tpu.memory_space<hbm>>
        tpu.enqueue_indirect_dma source(%dma_start3A_120 : memref<8388608x2xf32, #tpu.memory_space<hbm>>) target(%dma_start3A_114 : memref<256x2xf32, #tpu.memory_space<vmem>>) offsets(%dma_start3A_117 : memref<256xi32, #tpu.memory_space<vmem>>) semaphore(%arg14 : memref<!tpu.dma_semaphore, #tpu.memory_space<semaphore_mem>>)
        %dma_start3A_121 = arith.constant 1 : i32
        %dma_start3A_122 = arith.constant 1 : i32
        %dma_start3A_123 = arith.constant 768 : i32
        %dma_start3A_124 = arith.constant 0 : i32
        %dma_start3A_125 = tpu.memref_slice %arg11[%dma_start3A_122, %dma_start3A_123, %dma_start3A_124] : memref<8x1024x2xf32, #tpu.memory_space<vmem>> -> memref<1x256x2xf32, #tpu.memory_space<vmem>>
        %dma_start3A_126 = tpu.memref_squeeze %dma_start3A_125 : memref<1x256x2xf32, #tpu.memory_space<vmem>> -> memref<256x2xf32, #tpu.memory_space<vmem>>
        %dma_start3A_127 = arith.constant 768 : i32
        %dma_start3A_128 = tpu.memref_slice %arg10[%dma_start3A_121, %dma_start3A_127] : memref<8x1024xi32, #tpu.memory_space<vmem>> -> memref<1x256xi32, #tpu.memory_space<vmem>>
        %dma_start3A_129 = tpu.memref_squeeze %dma_start3A_128 : memref<1x256xi32, #tpu.memory_space<vmem>> -> memref<256xi32, #tpu.memory_space<vmem>>
        %dma_start3A_130 = arith.constant 0 : i32
        %dma_start3A_131 = arith.constant 0 : i32
        %dma_start3A_132 = tpu.memref_slice %arg3[%dma_start3A_130, %dma_start3A_131] : memref<8388608x2xf32, #tpu.memory_space<hbm>> -> memref<8388608x2xf32, #tpu.memory_space<hbm>>
        tpu.enqueue_indirect_dma source(%dma_start3A_132 : memref<8388608x2xf32, #tpu.memory_space<hbm>>) target(%dma_start3A_126 : memref<256x2xf32, #tpu.memory_space<vmem>>) offsets(%dma_start3A_129 : memref<256xi32, #tpu.memory_space<vmem>>) semaphore(%arg14 : memref<!tpu.dma_semaphore, #tpu.memory_space<semaphore_mem>>)
        %dma_start3A_133 = arith.constant 2 : i32
        %dma_start3A_134 = arith.constant 2 : i32
        %dma_start3A_135 = arith.constant 0 : i32
        %dma_start3A_136 = arith.constant 0 : i32
        %dma_start3A_137 = tpu.memref_slice %arg11[%dma_start3A_134, %dma_start3A_135, %dma_start3A_136] : memref<8x1024x2xf32, #tpu.memory_space<vmem>> -> memref<1x256x2xf32, #tpu.memory_space<vmem>>
        %dma_start3A_138 = tpu.memref_squeeze %dma_start3A_137 : memref<1x256x2xf32, #tpu.memory_space<vmem>> -> memref<256x2xf32, #tpu.memory_space<vmem>>
        %dma_start3A_139 = arith.constant 0 : i32
        %dma_start3A_140 = tpu.memref_slice %arg10[%dma_start3A_133, %dma_start3A_139] : memref<8x1024xi32, #tpu.memory_space<vmem>> -> memref<1x256xi32, #tpu.memory_space<vmem>>
        %dma_start3A_141 = tpu.memref_squeeze %dma_start3A_140 : memref<1x256xi32, #tpu.memory_space<vmem>> -> memref<256xi32, #tpu.memory_space<vmem>>
        %dma_start3A_142 = arith.constant 0 : i32
        %dma_start3A_143 = arith.constant 0 : i32
        %dma_start3A_144 = tpu.memref_slice %arg3[%dma_start3A_142, %dma_start3A_143] : memref<8388608x2xf32, #tpu.memory_space<hbm>> -> memref<8388608x2xf32, #tpu.memory_space<hbm>>
        tpu.enqueue_indirect_dma source(%dma_start3A_144 : memref<8388608x2xf32, #tpu.memory_space<hbm>>) target(%dma_start3A_138 : memref<256x2xf32, #tpu.memory_space<vmem>>) offsets(%dma_start3A_141 : memref<256xi32, #tpu.memory_space<vmem>>) semaphore(%arg14 : memref<!tpu.dma_semaphore, #tpu.memory_space<semaphore_mem>>)
        %dma_start3A_145 = arith.constant 2 : i32
        %dma_start3A_146 = arith.constant 2 : i32
        %dma_start3A_147 = arith.constant 256 : i32
        %dma_start3A_148 = arith.constant 0 : i32
        %dma_start3A_149 = tpu.memref_slice %arg11[%dma_start3A_146, %dma_start3A_147, %dma_start3A_148] : memref<8x1024x2xf32, #tpu.memory_space<vmem>> -> memref<1x256x2xf32, #tpu.memory_space<vmem>>
        %dma_start3A_150 = tpu.memref_squeeze %dma_start3A_149 : memref<1x256x2xf32, #tpu.memory_space<vmem>> -> memref<256x2xf32, #tpu.memory_space<vmem>>
        %dma_start3A_151 = arith.constant 256 : i32
        %dma_start3A_152 = tpu.memref_slice %arg10[%dma_start3A_145, %dma_start3A_151] : memref<8x1024xi32, #tpu.memory_space<vmem>> -> memref<1x256xi32, #tpu.memory_space<vmem>>
        %dma_start3A_153 = tpu.memref_squeeze %dma_start3A_152 : memref<1x256xi32, #tpu.memory_space<vmem>> -> memref<256xi32, #tpu.memory_space<vmem>>
        %dma_start3A_154 = arith.constant 0 : i32
        %dma_start3A_155 = arith.constant 0 : i32
        %dma_start3A_156 = tpu.memref_slice %arg3[%dma_start3A_154, %dma_start3A_155] : memref<8388608x2xf32, #tpu.memory_space<hbm>> -> memref<8388608x2xf32, #tpu.memory_space<hbm>>
        tpu.enqueue_indirect_dma source(%dma_start3A_156 : memref<8388608x2xf32, #tpu.memory_space<hbm>>) target(%dma_start3A_150 : memref<256x2xf32, #tpu.memory_space<vmem>>) offsets(%dma_start3A_153 : memref<256xi32, #tpu.memory_space<vmem>>) semaphore(%arg14 : memref<!tpu.dma_semaphore, #tpu.memory_space<semaphore_mem>>)
        %dma_start3A_157 = arith.constant 2 : i32
        %dma_start3A_158 = arith.constant 2 : i32
        %dma_start3A_159 = arith.constant 512 : i32
        %dma_start3A_160 = arith.constant 0 : i32
        %dma_start3A_161 = tpu.memref_slice %arg11[%dma_start3A_158, %dma_start3A_159, %dma_start3A_160] : memref<8x1024x2xf32, #tpu.memory_space<vmem>> -> memref<1x256x2xf32, #tpu.memory_space<vmem>>
        %dma_start3A_162 = tpu.memref_squeeze %dma_start3A_161 : memref<1x256x2xf32, #tpu.memory_space<vmem>> -> memref<256x2xf32, #tpu.memory_space<vmem>>
        %dma_start3A_163 = arith.constant 512 : i32
        %dma_start3A_164 = tpu.memref_slice %arg10[%dma_start3A_157, %dma_start3A_163] : memref<8x1024xi32, #tpu.memory_space<vmem>> -> memref<1x256xi32, #tpu.memory_space<vmem>>
        %dma_start3A_165 = tpu.memref_squeeze %dma_start3A_164 : memref<1x256xi32, #tpu.memory_space<vmem>> -> memref<256xi32, #tpu.memory_space<vmem>>
        %dma_start3A_166 = arith.constant 0 : i32
        %dma_start3A_167 = arith.constant 0 : i32
        %dma_start3A_168 = tpu.memref_slice %arg3[%dma_start3A_166, %dma_start3A_167] : memref<8388608x2xf32, #tpu.memory_space<hbm>> -> memref<8388608x2xf32, #tpu.memory_space<hbm>>
        tpu.enqueue_indirect_dma source(%dma_start3A_168 : memref<8388608x2xf32, #tpu.memory_space<hbm>>) target(%dma_start3A_162 : memref<256x2xf32, #tpu.memory_space<vmem>>) offsets(%dma_start3A_165 : memref<256xi32, #tpu.memory_space<vmem>>) semaphore(%arg14 : memref<!tpu.dma_semaphore, #tpu.memory_space<semaphore_mem>>)
        %dma_start3A_169 = arith.constant 2 : i32
        %dma_start3A_170 = arith.constant 2 : i32
        %dma_start3A_171 = arith.constant 768 : i32
        %dma_start3A_172 = arith.constant 0 : i32
        %dma_start3A_173 = tpu.memref_slice %arg11[%dma_start3A_170, %dma_start3A_171, %dma_start3A_172] : memref<8x1024x2xf32, #tpu.memory_space<vmem>> -> memref<1x256x2xf32, #tpu.memory_space<vmem>>
        %dma_start3A_174 = tpu.memref_squeeze %dma_start3A_173 : memref<1x256x2xf32, #tpu.memory_space<vmem>> -> memref<256x2xf32, #tpu.memory_space<vmem>>
        %dma_start3A_175 = arith.constant 768 : i32
        %dma_start3A_176 = tpu.memref_slice %arg10[%dma_start3A_169, %dma_start3A_175] : memref<8x1024xi32, #tpu.memory_space<vmem>> -> memref<1x256xi32, #tpu.memory_space<vmem>>
        %dma_start3A_177 = tpu.memref_squeeze %dma_start3A_176 : memref<1x256xi32, #tpu.memory_space<vmem>> -> memref<256xi32, #tpu.memory_space<vmem>>
        %dma_start3A_178 = arith.constant 0 : i32
        %dma_start3A_179 = arith.constant 0 : i32
        %dma_start3A_180 = tpu.memref_slice %arg3[%dma_start3A_178, %dma_start3A_179] : memref<8388608x2xf32, #tpu.memory_space<hbm>> -> memref<8388608x2xf32, #tpu.memory_space<hbm>>
        tpu.enqueue_indirect_dma source(%dma_start3A_180 : memref<8388608x2xf32, #tpu.memory_space<hbm>>) target(%dma_start3A_174 : memref<256x2xf32, #tpu.memory_space<vmem>>) offsets(%dma_start3A_177 : memref<256xi32, #tpu.memory_space<vmem>>) semaphore(%arg14 : memref<!tpu.dma_semaphore, #tpu.memory_space<semaphore_mem>>)
        %dma_start3A_181 = arith.constant 3 : i32
        %dma_start3A_182 = arith.constant 3 : i32
        %dma_start3A_183 = arith.constant 0 : i32
        %dma_start3A_184 = arith.constant 0 : i32
        %dma_start3A_185 = tpu.memref_slice %arg11[%dma_start3A_182, %dma_start3A_183, %dma_start3A_184] : memref<8x1024x2xf32, #tpu.memory_space<vmem>> -> memref<1x256x2xf32, #tpu.memory_space<vmem>>
        %dma_start3A_186 = tpu.memref_squeeze %dma_start3A_185 : memref<1x256x2xf32, #tpu.memory_space<vmem>> -> memref<256x2xf32, #tpu.memory_space<vmem>>
        %dma_start3A_187 = arith.constant 0 : i32
        %dma_start3A_188 = tpu.memref_slice %arg10[%dma_start3A_181, %dma_start3A_187] : memref<8x1024xi32, #tpu.memory_space<vmem>> -> memref<1x256xi32, #tpu.memory_space<vmem>>
        %dma_start3A_189 = tpu.memref_squeeze %dma_start3A_188 : memref<1x256xi32, #tpu.memory_space<vmem>> -> memref<256xi32, #tpu.memory_space<vmem>>
        %dma_start3A_190 = arith.constant 0 : i32
        %dma_start3A_191 = arith.constant 0 : i32
        %dma_start3A_192 = tpu.memref_slice %arg3[%dma_start3A_190, %dma_start3A_191] : memref<8388608x2xf32, #tpu.memory_space<hbm>> -> memref<8388608x2xf32, #tpu.memory_space<hbm>>
        tpu.enqueue_indirect_dma source(%dma_start3A_192 : memref<8388608x2xf32, #tpu.memory_space<hbm>>) target(%dma_start3A_186 : memref<256x2xf32, #tpu.memory_space<vmem>>) offsets(%dma_start3A_189 : memref<256xi32, #tpu.memory_space<vmem>>) semaphore(%arg14 : memref<!tpu.dma_semaphore, #tpu.memory_space<semaphore_mem>>)
        %dma_start3A_193 = arith.constant 3 : i32
        %dma_start3A_194 = arith.constant 3 : i32
        %dma_start3A_195 = arith.constant 256 : i32
        %dma_start3A_196 = arith.constant 0 : i32
        %dma_start3A_197 = tpu.memref_slice %arg11[%dma_start3A_194, %dma_start3A_195, %dma_start3A_196] : memref<8x1024x2xf32, #tpu.memory_space<vmem>> -> memref<1x256x2xf32, #tpu.memory_space<vmem>>
        %dma_start3A_198 = tpu.memref_squeeze %dma_start3A_197 : memref<1x256x2xf32, #tpu.memory_space<vmem>> -> memref<256x2xf32, #tpu.memory_space<vmem>>
        %dma_start3A_199 = arith.constant 256 : i32
        %dma_start3A_200 = tpu.memref_slice %arg10[%dma_start3A_193, %dma_start3A_199] : memref<8x1024xi32, #tpu.memory_space<vmem>> -> memref<1x256xi32, #tpu.memory_space<vmem>>
        %dma_start3A_201 = tpu.memref_squeeze %dma_start3A_200 : memref<1x256xi32, #tpu.memory_space<vmem>> -> memref<256xi32, #tpu.memory_space<vmem>>
        %dma_start3A_202 = arith.constant 0 : i32
        %dma_start3A_203 = arith.constant 0 : i32
        %dma_start3A_204 = tpu.memref_slice %arg3[%dma_start3A_202, %dma_start3A_203] : memref<8388608x2xf32, #tpu.memory_space<hbm>> -> memref<8388608x2xf32, #tpu.memory_space<hbm>>
        tpu.enqueue_indirect_dma source(%dma_start3A_204 : memref<8388608x2xf32, #tpu.memory_space<hbm>>) target(%dma_start3A_198 : memref<256x2xf32, #tpu.memory_space<vmem>>) offsets(%dma_start3A_201 : memref<256xi32, #tpu.memory_space<vmem>>) semaphore(%arg14 : memref<!tpu.dma_semaphore, #tpu.memory_space<semaphore_mem>>)
        %dma_start3A_205 = arith.constant 3 : i32
        %dma_start3A_206 = arith.constant 3 : i32
        %dma_start3A_207 = arith.constant 512 : i32
        %dma_start3A_208 = arith.constant 0 : i32
        %dma_start3A_209 = tpu.memref_slice %arg11[%dma_start3A_206, %dma_start3A_207, %dma_start3A_208] : memref<8x1024x2xf32, #tpu.memory_space<vmem>> -> memref<1x256x2xf32, #tpu.memory_space<vmem>>
        %dma_start3A_210 = tpu.memref_squeeze %dma_start3A_209 : memref<1x256x2xf32, #tpu.memory_space<vmem>> -> memref<256x2xf32, #tpu.memory_space<vmem>>
        %dma_start3A_211 = arith.constant 512 : i32
        %dma_start3A_212 = tpu.memref_slice %arg10[%dma_start3A_205, %dma_start3A_211] : memref<8x1024xi32, #tpu.memory_space<vmem>> -> memref<1x256xi32, #tpu.memory_space<vmem>>
        %dma_start3A_213 = tpu.memref_squeeze %dma_start3A_212 : memref<1x256xi32, #tpu.memory_space<vmem>> -> memref<256xi32, #tpu.memory_space<vmem>>
        %dma_start3A_214 = arith.constant 0 : i32
        %dma_start3A_215 = arith.constant 0 : i32
        %dma_start3A_216 = tpu.memref_slice %arg3[%dma_start3A_214, %dma_start3A_215] : memref<8388608x2xf32, #tpu.memory_space<hbm>> -> memref<8388608x2xf32, #tpu.memory_space<hbm>>
        tpu.enqueue_indirect_dma source(%dma_start3A_216 : memref<8388608x2xf32, #tpu.memory_space<hbm>>) target(%dma_start3A_210 : memref<256x2xf32, #tpu.memory_space<vmem>>) offsets(%dma_start3A_213 : memref<256xi32, #tpu.memory_space<vmem>>) semaphore(%arg14 : memref<!tpu.dma_semaphore, #tpu.memory_space<semaphore_mem>>)
        %dma_start3A_217 = arith.constant 3 : i32
        %dma_start3A_218 = arith.constant 3 : i32
        %dma_start3A_219 = arith.constant 768 : i32
        %dma_start3A_220 = arith.constant 0 : i32
        %dma_start3A_221 = tpu.memref_slice %arg11[%dma_start3A_218, %dma_start3A_219, %dma_start3A_220] : memref<8x1024x2xf32, #tpu.memory_space<vmem>> -> memref<1x256x2xf32, #tpu.memory_space<vmem>>
        %dma_start3A_222 = tpu.memref_squeeze %dma_start3A_221 : memref<1x256x2xf32, #tpu.memory_space<vmem>> -> memref<256x2xf32, #tpu.memory_space<vmem>>
        %dma_start3A_223 = arith.constant 768 : i32
        %dma_start3A_224 = tpu.memref_slice %arg10[%dma_start3A_217, %dma_start3A_223] : memref<8x1024xi32, #tpu.memory_space<vmem>> -> memref<1x256xi32, #tpu.memory_space<vmem>>
        %dma_start3A_225 = tpu.memref_squeeze %dma_start3A_224 : memref<1x256xi32, #tpu.memory_space<vmem>> -> memref<256xi32, #tpu.memory_space<vmem>>
        %dma_start3A_226 = arith.constant 0 : i32
        %dma_start3A_227 = arith.constant 0 : i32
        %dma_start3A_228 = tpu.memref_slice %arg3[%dma_start3A_226, %dma_start3A_227] : memref<8388608x2xf32, #tpu.memory_space<hbm>> -> memref<8388608x2xf32, #tpu.memory_space<hbm>>
        tpu.enqueue_indirect_dma source(%dma_start3A_228 : memref<8388608x2xf32, #tpu.memory_space<hbm>>) target(%dma_start3A_222 : memref<256x2xf32, #tpu.memory_space<vmem>>) offsets(%dma_start3A_225 : memref<256xi32, #tpu.memory_space<vmem>>) semaphore(%arg14 : memref<!tpu.dma_semaphore, #tpu.memory_space<semaphore_mem>>)
        %dma_start3A_229 = arith.constant 4 : i32
        %dma_start3A_230 = arith.constant 4 : i32
        %dma_start3A_231 = arith.constant 0 : i32
        %dma_start3A_232 = arith.constant 0 : i32
        %dma_start3A_233 = tpu.memref_slice %arg11[%dma_start3A_230, %dma_start3A_231, %dma_start3A_232] : memref<8x1024x2xf32, #tpu.memory_space<vmem>> -> memref<1x256x2xf32, #tpu.memory_space<vmem>>
        %dma_start3A_234 = tpu.memref_squeeze %dma_start3A_233 : memref<1x256x2xf32, #tpu.memory_space<vmem>> -> memref<256x2xf32, #tpu.memory_space<vmem>>
        %dma_start3A_235 = arith.constant 0 : i32
        %dma_start3A_236 = tpu.memref_slice %arg10[%dma_start3A_229, %dma_start3A_235] : memref<8x1024xi32, #tpu.memory_space<vmem>> -> memref<1x256xi32, #tpu.memory_space<vmem>>
        %dma_start3A_237 = tpu.memref_squeeze %dma_start3A_236 : memref<1x256xi32, #tpu.memory_space<vmem>> -> memref<256xi32, #tpu.memory_space<vmem>>
        %dma_start3A_238 = arith.constant 0 : i32
        %dma_start3A_239 = arith.constant 0 : i32
        %dma_start3A_240 = tpu.memref_slice %arg3[%dma_start3A_238, %dma_start3A_239] : memref<8388608x2xf32, #tpu.memory_space<hbm>> -> memref<8388608x2xf32, #tpu.memory_space<hbm>>
        tpu.enqueue_indirect_dma source(%dma_start3A_240 : memref<8388608x2xf32, #tpu.memory_space<hbm>>) target(%dma_start3A_234 : memref<256x2xf32, #tpu.memory_space<vmem>>) offsets(%dma_start3A_237 : memref<256xi32, #tpu.memory_space<vmem>>) semaphore(%arg14 : memref<!tpu.dma_semaphore, #tpu.memory_space<semaphore_mem>>)
        %dma_start3A_241 = arith.constant 4 : i32
        %dma_start3A_242 = arith.constant 4 : i32
        %dma_start3A_243 = arith.constant 256 : i32
        %dma_start3A_244 = arith.constant 0 : i32
        %dma_start3A_245 = tpu.memref_slice %arg11[%dma_start3A_242, %dma_start3A_243, %dma_start3A_244] : memref<8x1024x2xf32, #tpu.memory_space<vmem>> -> memref<1x256x2xf32, #tpu.memory_space<vmem>>
        %dma_start3A_246 = tpu.memref_squeeze %dma_start3A_245 : memref<1x256x2xf32, #tpu.memory_space<vmem>> -> memref<256x2xf32, #tpu.memory_space<vmem>>
        %dma_start3A_247 = arith.constant 256 : i32
        %dma_start3A_248 = tpu.memref_slice %arg10[%dma_start3A_241, %dma_start3A_247] : memref<8x1024xi32, #tpu.memory_space<vmem>> -> memref<1x256xi32, #tpu.memory_space<vmem>>
        %dma_start3A_249 = tpu.memref_squeeze %dma_start3A_248 : memref<1x256xi32, #tpu.memory_space<vmem>> -> memref<256xi32, #tpu.memory_space<vmem>>
        %dma_start3A_250 = arith.constant 0 : i32
        %dma_start3A_251 = arith.constant 0 : i32
        %dma_start3A_252 = tpu.memref_slice %arg3[%dma_start3A_250, %dma_start3A_251] : memref<8388608x2xf32, #tpu.memory_space<hbm>> -> memref<8388608x2xf32, #tpu.memory_space<hbm>>
        tpu.enqueue_indirect_dma source(%dma_start3A_252 : memref<8388608x2xf32, #tpu.memory_space<hbm>>) target(%dma_start3A_246 : memref<256x2xf32, #tpu.memory_space<vmem>>) offsets(%dma_start3A_249 : memref<256xi32, #tpu.memory_space<vmem>>) semaphore(%arg14 : memref<!tpu.dma_semaphore, #tpu.memory_space<semaphore_mem>>)
        %dma_start3A_253 = arith.constant 4 : i32
        %dma_start3A_254 = arith.constant 4 : i32
        %dma_start3A_255 = arith.constant 512 : i32
        %dma_start3A_256 = arith.constant 0 : i32
        %dma_start3A_257 = tpu.memref_slice %arg11[%dma_start3A_254, %dma_start3A_255, %dma_start3A_256] : memref<8x1024x2xf32, #tpu.memory_space<vmem>> -> memref<1x256x2xf32, #tpu.memory_space<vmem>>
        %dma_start3A_258 = tpu.memref_squeeze %dma_start3A_257 : memref<1x256x2xf32, #tpu.memory_space<vmem>> -> memref<256x2xf32, #tpu.memory_space<vmem>>
        %dma_start3A_259 = arith.constant 512 : i32
        %dma_start3A_260 = tpu.memref_slice %arg10[%dma_start3A_253, %dma_start3A_259] : memref<8x1024xi32, #tpu.memory_space<vmem>> -> memref<1x256xi32, #tpu.memory_space<vmem>>
        %dma_start3A_261 = tpu.memref_squeeze %dma_start3A_260 : memref<1x256xi32, #tpu.memory_space<vmem>> -> memref<256xi32, #tpu.memory_space<vmem>>
        %dma_start3A_262 = arith.constant 0 : i32
        %dma_start3A_263 = arith.constant 0 : i32
        %dma_start3A_264 = tpu.memref_slice %arg3[%dma_start3A_262, %dma_start3A_263] : memref<8388608x2xf32, #tpu.memory_space<hbm>> -> memref<8388608x2xf32, #tpu.memory_space<hbm>>
        tpu.enqueue_indirect_dma source(%dma_start3A_264 : memref<8388608x2xf32, #tpu.memory_space<hbm>>) target(%dma_start3A_258 : memref<256x2xf32, #tpu.memory_space<vmem>>) offsets(%dma_start3A_261 : memref<256xi32, #tpu.memory_space<vmem>>) semaphore(%arg14 : memref<!tpu.dma_semaphore, #tpu.memory_space<semaphore_mem>>)
        %dma_start3A_265 = arith.constant 4 : i32
        %dma_start3A_266 = arith.constant 4 : i32
        %dma_start3A_267 = arith.constant 768 : i32
        %dma_start3A_268 = arith.constant 0 : i32
        %dma_start3A_269 = tpu.memref_slice %arg11[%dma_start3A_266, %dma_start3A_267, %dma_start3A_268] : memref<8x1024x2xf32, #tpu.memory_space<vmem>> -> memref<1x256x2xf32, #tpu.memory_space<vmem>>
        %dma_start3A_270 = tpu.memref_squeeze %dma_start3A_269 : memref<1x256x2xf32, #tpu.memory_space<vmem>> -> memref<256x2xf32, #tpu.memory_space<vmem>>
        %dma_start3A_271 = arith.constant 768 : i32
        %dma_start3A_272 = tpu.memref_slice %arg10[%dma_start3A_265, %dma_start3A_271] : memref<8x1024xi32, #tpu.memory_space<vmem>> -> memref<1x256xi32, #tpu.memory_space<vmem>>
        %dma_start3A_273 = tpu.memref_squeeze %dma_start3A_272 : memref<1x256xi32, #tpu.memory_space<vmem>> -> memref<256xi32, #tpu.memory_space<vmem>>
        %dma_start3A_274 = arith.constant 0 : i32
        %dma_start3A_275 = arith.constant 0 : i32
        %dma_start3A_276 = tpu.memref_slice %arg3[%dma_start3A_274, %dma_start3A_275] : memref<8388608x2xf32, #tpu.memory_space<hbm>> -> memref<8388608x2xf32, #tpu.memory_space<hbm>>
        tpu.enqueue_indirect_dma source(%dma_start3A_276 : memref<8388608x2xf32, #tpu.memory_space<hbm>>) target(%dma_start3A_270 : memref<256x2xf32, #tpu.memory_space<vmem>>) offsets(%dma_start3A_273 : memref<256xi32, #tpu.memory_space<vmem>>) semaphore(%arg14 : memref<!tpu.dma_semaphore, #tpu.memory_space<semaphore_mem>>)
        %dma_start3A_277 = arith.constant 5 : i32
        %dma_start3A_278 = arith.constant 5 : i32
        %dma_start3A_279 = arith.constant 0 : i32
        %dma_start3A_280 = arith.constant 0 : i32
        %dma_start3A_281 = tpu.memref_slice %arg11[%dma_start3A_278, %dma_start3A_279, %dma_start3A_280] : memref<8x1024x2xf32, #tpu.memory_space<vmem>> -> memref<1x256x2xf32, #tpu.memory_space<vmem>>
        %dma_start3A_282 = tpu.memref_squeeze %dma_start3A_281 : memref<1x256x2xf32, #tpu.memory_space<vmem>> -> memref<256x2xf32, #tpu.memory_space<vmem>>
        %dma_start3A_283 = arith.constant 0 : i32
        %dma_start3A_284 = tpu.memref_slice %arg10[%dma_start3A_277, %dma_start3A_283] : memref<8x1024xi32, #tpu.memory_space<vmem>> -> memref<1x256xi32, #tpu.memory_space<vmem>>
        %dma_start3A_285 = tpu.memref_squeeze %dma_start3A_284 : memref<1x256xi32, #tpu.memory_space<vmem>> -> memref<256xi32, #tpu.memory_space<vmem>>
        %dma_start3A_286 = arith.constant 0 : i32
        %dma_start3A_287 = arith.constant 0 : i32
        %dma_start3A_288 = tpu.memref_slice %arg3[%dma_start3A_286, %dma_start3A_287] : memref<8388608x2xf32, #tpu.memory_space<hbm>> -> memref<8388608x2xf32, #tpu.memory_space<hbm>>
        tpu.enqueue_indirect_dma source(%dma_start3A_288 : memref<8388608x2xf32, #tpu.memory_space<hbm>>) target(%dma_start3A_282 : memref<256x2xf32, #tpu.memory_space<vmem>>) offsets(%dma_start3A_285 : memref<256xi32, #tpu.memory_space<vmem>>) semaphore(%arg14 : memref<!tpu.dma_semaphore, #tpu.memory_space<semaphore_mem>>)
        %dma_start3A_289 = arith.constant 5 : i32
        %dma_start3A_290 = arith.constant 5 : i32
        %dma_start3A_291 = arith.constant 256 : i32
        %dma_start3A_292 = arith.constant 0 : i32
        %dma_start3A_293 = tpu.memref_slice %arg11[%dma_start3A_290, %dma_start3A_291, %dma_start3A_292] : memref<8x1024x2xf32, #tpu.memory_space<vmem>> -> memref<1x256x2xf32, #tpu.memory_space<vmem>>
        %dma_start3A_294 = tpu.memref_squeeze %dma_start3A_293 : memref<1x256x2xf32, #tpu.memory_space<vmem>> -> memref<256x2xf32, #tpu.memory_space<vmem>>
        %dma_start3A_295 = arith.constant 256 : i32
        %dma_start3A_296 = tpu.memref_slice %arg10[%dma_start3A_289, %dma_start3A_295] : memref<8x1024xi32, #tpu.memory_space<vmem>> -> memref<1x256xi32, #tpu.memory_space<vmem>>
        %dma_start3A_297 = tpu.memref_squeeze %dma_start3A_296 : memref<1x256xi32, #tpu.memory_space<vmem>> -> memref<256xi32, #tpu.memory_space<vmem>>
        %dma_start3A_298 = arith.constant 0 : i32
        %dma_start3A_299 = arith.constant 0 : i32
        %dma_start3A_300 = tpu.memref_slice %arg3[%dma_start3A_298, %dma_start3A_299] : memref<8388608x2xf32, #tpu.memory_space<hbm>> -> memref<8388608x2xf32, #tpu.memory_space<hbm>>
        tpu.enqueue_indirect_dma source(%dma_start3A_300 : memref<8388608x2xf32, #tpu.memory_space<hbm>>) target(%dma_start3A_294 : memref<256x2xf32, #tpu.memory_space<vmem>>) offsets(%dma_start3A_297 : memref<256xi32, #tpu.memory_space<vmem>>) semaphore(%arg14 : memref<!tpu.dma_semaphore, #tpu.memory_space<semaphore_mem>>)
        %dma_start3A_301 = arith.constant 5 : i32
        %dma_start3A_302 = arith.constant 5 : i32
        %dma_start3A_303 = arith.constant 512 : i32
        %dma_start3A_304 = arith.constant 0 : i32
        %dma_start3A_305 = tpu.memref_slice %arg11[%dma_start3A_302, %dma_start3A_303, %dma_start3A_304] : memref<8x1024x2xf32, #tpu.memory_space<vmem>> -> memref<1x256x2xf32, #tpu.memory_space<vmem>>
        %dma_start3A_306 = tpu.memref_squeeze %dma_start3A_305 : memref<1x256x2xf32, #tpu.memory_space<vmem>> -> memref<256x2xf32, #tpu.memory_space<vmem>>
        %dma_start3A_307 = arith.constant 512 : i32
        %dma_start3A_308 = tpu.memref_slice %arg10[%dma_start3A_301, %dma_start3A_307] : memref<8x1024xi32, #tpu.memory_space<vmem>> -> memref<1x256xi32, #tpu.memory_space<vmem>>
        %dma_start3A_309 = tpu.memref_squeeze %dma_start3A_308 : memref<1x256xi32, #tpu.memory_space<vmem>> -> memref<256xi32, #tpu.memory_space<vmem>>
        %dma_start3A_310 = arith.constant 0 : i32
        %dma_start3A_311 = arith.constant 0 : i32
        %dma_start3A_312 = tpu.memref_slice %arg3[%dma_start3A_310, %dma_start3A_311] : memref<8388608x2xf32, #tpu.memory_space<hbm>> -> memref<8388608x2xf32, #tpu.memory_space<hbm>>
        tpu.enqueue_indirect_dma source(%dma_start3A_312 : memref<8388608x2xf32, #tpu.memory_space<hbm>>) target(%dma_start3A_306 : memref<256x2xf32, #tpu.memory_space<vmem>>) offsets(%dma_start3A_309 : memref<256xi32, #tpu.memory_space<vmem>>) semaphore(%arg14 : memref<!tpu.dma_semaphore, #tpu.memory_space<semaphore_mem>>)
        %dma_start3A_313 = arith.constant 5 : i32
        %dma_start3A_314 = arith.constant 5 : i32
        %dma_start3A_315 = arith.constant 768 : i32
        %dma_start3A_316 = arith.constant 0 : i32
        %dma_start3A_317 = tpu.memref_slice %arg11[%dma_start3A_314, %dma_start3A_315, %dma_start3A_316] : memref<8x1024x2xf32, #tpu.memory_space<vmem>> -> memref<1x256x2xf32, #tpu.memory_space<vmem>>
        %dma_start3A_318 = tpu.memref_squeeze %dma_start3A_317 : memref<1x256x2xf32, #tpu.memory_space<vmem>> -> memref<256x2xf32, #tpu.memory_space<vmem>>
        %dma_start3A_319 = arith.constant 768 : i32
        %dma_start3A_320 = tpu.memref_slice %arg10[%dma_start3A_313, %dma_start3A_319] : memref<8x1024xi32, #tpu.memory_space<vmem>> -> memref<1x256xi32, #tpu.memory_space<vmem>>
        %dma_start3A_321 = tpu.memref_squeeze %dma_start3A_320 : memref<1x256xi32, #tpu.memory_space<vmem>> -> memref<256xi32, #tpu.memory_space<vmem>>
        %dma_start3A_322 = arith.constant 0 : i32
        %dma_start3A_323 = arith.constant 0 : i32
        %dma_start3A_324 = tpu.memref_slice %arg3[%dma_start3A_322, %dma_start3A_323] : memref<8388608x2xf32, #tpu.memory_space<hbm>> -> memref<8388608x2xf32, #tpu.memory_space<hbm>>
        tpu.enqueue_indirect_dma source(%dma_start3A_324 : memref<8388608x2xf32, #tpu.memory_space<hbm>>) target(%dma_start3A_318 : memref<256x2xf32, #tpu.memory_space<vmem>>) offsets(%dma_start3A_321 : memref<256xi32, #tpu.memory_space<vmem>>) semaphore(%arg14 : memref<!tpu.dma_semaphore, #tpu.memory_space<semaphore_mem>>)
        %dma_start3A_325 = arith.constant 6 : i32
        %dma_start3A_326 = arith.constant 6 : i32
        %dma_start3A_327 = arith.constant 0 : i32
        %dma_start3A_328 = arith.constant 0 : i32
        %dma_start3A_329 = tpu.memref_slice %arg11[%dma_start3A_326, %dma_start3A_327, %dma_start3A_328] : memref<8x1024x2xf32, #tpu.memory_space<vmem>> -> memref<1x256x2xf32, #tpu.memory_space<vmem>>
        %dma_start3A_330 = tpu.memref_squeeze %dma_start3A_329 : memref<1x256x2xf32, #tpu.memory_space<vmem>> -> memref<256x2xf32, #tpu.memory_space<vmem>>
        %dma_start3A_331 = arith.constant 0 : i32
        %dma_start3A_332 = tpu.memref_slice %arg10[%dma_start3A_325, %dma_start3A_331] : memref<8x1024xi32, #tpu.memory_space<vmem>> -> memref<1x256xi32, #tpu.memory_space<vmem>>
        %dma_start3A_333 = tpu.memref_squeeze %dma_start3A_332 : memref<1x256xi32, #tpu.memory_space<vmem>> -> memref<256xi32, #tpu.memory_space<vmem>>
        %dma_start3A_334 = arith.constant 0 : i32
        %dma_start3A_335 = arith.constant 0 : i32
        %dma_start3A_336 = tpu.memref_slice %arg3[%dma_start3A_334, %dma_start3A_335] : memref<8388608x2xf32, #tpu.memory_space<hbm>> -> memref<8388608x2xf32, #tpu.memory_space<hbm>>
        tpu.enqueue_indirect_dma source(%dma_start3A_336 : memref<8388608x2xf32, #tpu.memory_space<hbm>>) target(%dma_start3A_330 : memref<256x2xf32, #tpu.memory_space<vmem>>) offsets(%dma_start3A_333 : memref<256xi32, #tpu.memory_space<vmem>>) semaphore(%arg14 : memref<!tpu.dma_semaphore, #tpu.memory_space<semaphore_mem>>)
        %dma_start3A_337 = arith.constant 6 : i32
        %dma_start3A_338 = arith.constant 6 : i32
        %dma_start3A_339 = arith.constant 256 : i32
        %dma_start3A_340 = arith.constant 0 : i32
        %dma_start3A_341 = tpu.memref_slice %arg11[%dma_start3A_338, %dma_start3A_339, %dma_start3A_340] : memref<8x1024x2xf32, #tpu.memory_space<vmem>> -> memref<1x256x2xf32, #tpu.memory_space<vmem>>
        %dma_start3A_342 = tpu.memref_squeeze %dma_start3A_341 : memref<1x256x2xf32, #tpu.memory_space<vmem>> -> memref<256x2xf32, #tpu.memory_space<vmem>>
        %dma_start3A_343 = arith.constant 256 : i32
        %dma_start3A_344 = tpu.memref_slice %arg10[%dma_start3A_337, %dma_start3A_343] : memref<8x1024xi32, #tpu.memory_space<vmem>> -> memref<1x256xi32, #tpu.memory_space<vmem>>
        %dma_start3A_345 = tpu.memref_squeeze %dma_start3A_344 : memref<1x256xi32, #tpu.memory_space<vmem>> -> memref<256xi32, #tpu.memory_space<vmem>>
        %dma_start3A_346 = arith.constant 0 : i32
        %dma_start3A_347 = arith.constant 0 : i32
        %dma_start3A_348 = tpu.memref_slice %arg3[%dma_start3A_346, %dma_start3A_347] : memref<8388608x2xf32, #tpu.memory_space<hbm>> -> memref<8388608x2xf32, #tpu.memory_space<hbm>>
        tpu.enqueue_indirect_dma source(%dma_start3A_348 : memref<8388608x2xf32, #tpu.memory_space<hbm>>) target(%dma_start3A_342 : memref<256x2xf32, #tpu.memory_space<vmem>>) offsets(%dma_start3A_345 : memref<256xi32, #tpu.memory_space<vmem>>) semaphore(%arg14 : memref<!tpu.dma_semaphore, #tpu.memory_space<semaphore_mem>>)
        %dma_start3A_349 = arith.constant 6 : i32
        %dma_start3A_350 = arith.constant 6 : i32
        %dma_start3A_351 = arith.constant 512 : i32
        %dma_start3A_352 = arith.constant 0 : i32
        %dma_start3A_353 = tpu.memref_slice %arg11[%dma_start3A_350, %dma_start3A_351, %dma_start3A_352] : memref<8x1024x2xf32, #tpu.memory_space<vmem>> -> memref<1x256x2xf32, #tpu.memory_space<vmem>>
        %dma_start3A_354 = tpu.memref_squeeze %dma_start3A_353 : memref<1x256x2xf32, #tpu.memory_space<vmem>> -> memref<256x2xf32, #tpu.memory_space<vmem>>
        %dma_start3A_355 = arith.constant 512 : i32
        %dma_start3A_356 = tpu.memref_slice %arg10[%dma_start3A_349, %dma_start3A_355] : memref<8x1024xi32, #tpu.memory_space<vmem>> -> memref<1x256xi32, #tpu.memory_space<vmem>>
        %dma_start3A_357 = tpu.memref_squeeze %dma_start3A_356 : memref<1x256xi32, #tpu.memory_space<vmem>> -> memref<256xi32, #tpu.memory_space<vmem>>
        %dma_start3A_358 = arith.constant 0 : i32
        %dma_start3A_359 = arith.constant 0 : i32
        %dma_start3A_360 = tpu.memref_slice %arg3[%dma_start3A_358, %dma_start3A_359] : memref<8388608x2xf32, #tpu.memory_space<hbm>> -> memref<8388608x2xf32, #tpu.memory_space<hbm>>
        tpu.enqueue_indirect_dma source(%dma_start3A_360 : memref<8388608x2xf32, #tpu.memory_space<hbm>>) target(%dma_start3A_354 : memref<256x2xf32, #tpu.memory_space<vmem>>) offsets(%dma_start3A_357 : memref<256xi32, #tpu.memory_space<vmem>>) semaphore(%arg14 : memref<!tpu.dma_semaphore, #tpu.memory_space<semaphore_mem>>)
        %dma_start3A_361 = arith.constant 6 : i32
        %dma_start3A_362 = arith.constant 6 : i32
        %dma_start3A_363 = arith.constant 768 : i32
        %dma_start3A_364 = arith.constant 0 : i32
        %dma_start3A_365 = tpu.memref_slice %arg11[%dma_start3A_362, %dma_start3A_363, %dma_start3A_364] : memref<8x1024x2xf32, #tpu.memory_space<vmem>> -> memref<1x256x2xf32, #tpu.memory_space<vmem>>
        %dma_start3A_366 = tpu.memref_squeeze %dma_start3A_365 : memref<1x256x2xf32, #tpu.memory_space<vmem>> -> memref<256x2xf32, #tpu.memory_space<vmem>>
        %dma_start3A_367 = arith.constant 768 : i32
        %dma_start3A_368 = tpu.memref_slice %arg10[%dma_start3A_361, %dma_start3A_367] : memref<8x1024xi32, #tpu.memory_space<vmem>> -> memref<1x256xi32, #tpu.memory_space<vmem>>
        %dma_start3A_369 = tpu.memref_squeeze %dma_start3A_368 : memref<1x256xi32, #tpu.memory_space<vmem>> -> memref<256xi32, #tpu.memory_space<vmem>>
        %dma_start3A_370 = arith.constant 0 : i32
        %dma_start3A_371 = arith.constant 0 : i32
        %dma_start3A_372 = tpu.memref_slice %arg3[%dma_start3A_370, %dma_start3A_371] : memref<8388608x2xf32, #tpu.memory_space<hbm>> -> memref<8388608x2xf32, #tpu.memory_space<hbm>>
        tpu.enqueue_indirect_dma source(%dma_start3A_372 : memref<8388608x2xf32, #tpu.memory_space<hbm>>) target(%dma_start3A_366 : memref<256x2xf32, #tpu.memory_space<vmem>>) offsets(%dma_start3A_369 : memref<256xi32, #tpu.memory_space<vmem>>) semaphore(%arg14 : memref<!tpu.dma_semaphore, #tpu.memory_space<semaphore_mem>>)
        %dma_start3A_373 = arith.constant 7 : i32
        %dma_start3A_374 = arith.constant 7 : i32
        %dma_start3A_375 = arith.constant 0 : i32
        %dma_start3A_376 = arith.constant 0 : i32
        %dma_start3A_377 = tpu.memref_slice %arg11[%dma_start3A_374, %dma_start3A_375, %dma_start3A_376] : memref<8x1024x2xf32, #tpu.memory_space<vmem>> -> memref<1x256x2xf32, #tpu.memory_space<vmem>>
        %dma_start3A_378 = tpu.memref_squeeze %dma_start3A_377 : memref<1x256x2xf32, #tpu.memory_space<vmem>> -> memref<256x2xf32, #tpu.memory_space<vmem>>
        %dma_start3A_379 = arith.constant 0 : i32
        %dma_start3A_380 = tpu.memref_slice %arg10[%dma_start3A_373, %dma_start3A_379] : memref<8x1024xi32, #tpu.memory_space<vmem>> -> memref<1x256xi32, #tpu.memory_space<vmem>>
        %dma_start3A_381 = tpu.memref_squeeze %dma_start3A_380 : memref<1x256xi32, #tpu.memory_space<vmem>> -> memref<256xi32, #tpu.memory_space<vmem>>
        %dma_start3A_382 = arith.constant 0 : i32
        %dma_start3A_383 = arith.constant 0 : i32
        %dma_start3A_384 = tpu.memref_slice %arg3[%dma_start3A_382, %dma_start3A_383] : memref<8388608x2xf32, #tpu.memory_space<hbm>> -> memref<8388608x2xf32, #tpu.memory_space<hbm>>
        tpu.enqueue_indirect_dma source(%dma_start3A_384 : memref<8388608x2xf32, #tpu.memory_space<hbm>>) target(%dma_start3A_378 : memref<256x2xf32, #tpu.memory_space<vmem>>) offsets(%dma_start3A_381 : memref<256xi32, #tpu.memory_space<vmem>>) semaphore(%arg14 : memref<!tpu.dma_semaphore, #tpu.memory_space<semaphore_mem>>)
        %dma_start3A_385 = arith.constant 7 : i32
        %dma_start3A_386 = arith.constant 7 : i32
        %dma_start3A_387 = arith.constant 256 : i32
        %dma_start3A_388 = arith.constant 0 : i32
        %dma_start3A_389 = tpu.memref_slice %arg11[%dma_start3A_386, %dma_start3A_387, %dma_start3A_388] : memref<8x1024x2xf32, #tpu.memory_space<vmem>> -> memref<1x256x2xf32, #tpu.memory_space<vmem>>
        %dma_start3A_390 = tpu.memref_squeeze %dma_start3A_389 : memref<1x256x2xf32, #tpu.memory_space<vmem>> -> memref<256x2xf32, #tpu.memory_space<vmem>>
        %dma_start3A_391 = arith.constant 256 : i32
        %dma_start3A_392 = tpu.memref_slice %arg10[%dma_start3A_385, %dma_start3A_391] : memref<8x1024xi32, #tpu.memory_space<vmem>> -> memref<1x256xi32, #tpu.memory_space<vmem>>
        %dma_start3A_393 = tpu.memref_squeeze %dma_start3A_392 : memref<1x256xi32, #tpu.memory_space<vmem>> -> memref<256xi32, #tpu.memory_space<vmem>>
        %dma_start3A_394 = arith.constant 0 : i32
        %dma_start3A_395 = arith.constant 0 : i32
        %dma_start3A_396 = tpu.memref_slice %arg3[%dma_start3A_394, %dma_start3A_395] : memref<8388608x2xf32, #tpu.memory_space<hbm>> -> memref<8388608x2xf32, #tpu.memory_space<hbm>>
        tpu.enqueue_indirect_dma source(%dma_start3A_396 : memref<8388608x2xf32, #tpu.memory_space<hbm>>) target(%dma_start3A_390 : memref<256x2xf32, #tpu.memory_space<vmem>>) offsets(%dma_start3A_393 : memref<256xi32, #tpu.memory_space<vmem>>) semaphore(%arg14 : memref<!tpu.dma_semaphore, #tpu.memory_space<semaphore_mem>>)
        %dma_start3A_397 = arith.constant 7 : i32
        %dma_start3A_398 = arith.constant 7 : i32
        %dma_start3A_399 = arith.constant 512 : i32
        %dma_start3A_400 = arith.constant 0 : i32
        %dma_start3A_401 = tpu.memref_slice %arg11[%dma_start3A_398, %dma_start3A_399, %dma_start3A_400] : memref<8x1024x2xf32, #tpu.memory_space<vmem>> -> memref<1x256x2xf32, #tpu.memory_space<vmem>>
        %dma_start3A_402 = tpu.memref_squeeze %dma_start3A_401 : memref<1x256x2xf32, #tpu.memory_space<vmem>> -> memref<256x2xf32, #tpu.memory_space<vmem>>
        %dma_start3A_403 = arith.constant 512 : i32
        %dma_start3A_404 = tpu.memref_slice %arg10[%dma_start3A_397, %dma_start3A_403] : memref<8x1024xi32, #tpu.memory_space<vmem>> -> memref<1x256xi32, #tpu.memory_space<vmem>>
        %dma_start3A_405 = tpu.memref_squeeze %dma_start3A_404 : memref<1x256xi32, #tpu.memory_space<vmem>> -> memref<256xi32, #tpu.memory_space<vmem>>
        %dma_start3A_406 = arith.constant 0 : i32
        %dma_start3A_407 = arith.constant 0 : i32
        %dma_start3A_408 = tpu.memref_slice %arg3[%dma_start3A_406, %dma_start3A_407] : memref<8388608x2xf32, #tpu.memory_space<hbm>> -> memref<8388608x2xf32, #tpu.memory_space<hbm>>
        tpu.enqueue_indirect_dma source(%dma_start3A_408 : memref<8388608x2xf32, #tpu.memory_space<hbm>>) target(%dma_start3A_402 : memref<256x2xf32, #tpu.memory_space<vmem>>) offsets(%dma_start3A_405 : memref<256xi32, #tpu.memory_space<vmem>>) semaphore(%arg14 : memref<!tpu.dma_semaphore, #tpu.memory_space<semaphore_mem>>)
        %dma_start3A_409 = arith.constant 7 : i32
        %dma_start3A_410 = arith.constant 7 : i32
        %dma_start3A_411 = arith.constant 768 : i32
        %dma_start3A_412 = arith.constant 0 : i32
        %dma_start3A_413 = tpu.memref_slice %arg11[%dma_start3A_410, %dma_start3A_411, %dma_start3A_412] : memref<8x1024x2xf32, #tpu.memory_space<vmem>> -> memref<1x256x2xf32, #tpu.memory_space<vmem>>
        %dma_start3A_414 = tpu.memref_squeeze %dma_start3A_413 : memref<1x256x2xf32, #tpu.memory_space<vmem>> -> memref<256x2xf32, #tpu.memory_space<vmem>>
        %dma_start3A_415 = arith.constant 768 : i32
        %dma_start3A_416 = tpu.memref_slice %arg10[%dma_start3A_409, %dma_start3A_415] : memref<8x1024xi32, #tpu.memory_space<vmem>> -> memref<1x256xi32, #tpu.memory_space<vmem>>
        %dma_start3A_417 = tpu.memref_squeeze %dma_start3A_416 : memref<1x256xi32, #tpu.memory_space<vmem>> -> memref<256xi32, #tpu.memory_space<vmem>>
        %dma_start3A_418 = arith.constant 0 : i32
        %dma_start3A_419 = arith.constant 0 : i32
        %dma_start3A_420 = tpu.memref_slice %arg3[%dma_start3A_418, %dma_start3A_419] : memref<8388608x2xf32, #tpu.memory_space<hbm>> -> memref<8388608x2xf32, #tpu.memory_space<hbm>>
        tpu.enqueue_indirect_dma source(%dma_start3A_420 : memref<8388608x2xf32, #tpu.memory_space<hbm>>) target(%dma_start3A_414 : memref<256x2xf32, #tpu.memory_space<vmem>>) offsets(%dma_start3A_417 : memref<256xi32, #tpu.memory_space<vmem>>) semaphore(%arg14 : memref<!tpu.dma_semaphore, #tpu.memory_space<semaphore_mem>>)
        %dma_wait3A = arith.constant 0 : i32
        %dma_wait3A_421 = arith.constant 0 : i32
        %dma_wait3A_422 = arith.constant 0 : i32
        %dma_wait3A_423 = arith.constant 0 : i32
        %dma_wait3A_424 = tpu.memref_slice %arg11[%dma_wait3A_421, %dma_wait3A_422, %dma_wait3A_423] : memref<8x1024x2xf32, #tpu.memory_space<vmem>> -> memref<1x256x2xf32, #tpu.memory_space<vmem>>
        %dma_wait3A_425 = tpu.memref_squeeze %dma_wait3A_424 : memref<1x256x2xf32, #tpu.memory_space<vmem>> -> memref<256x2xf32, #tpu.memory_space<vmem>>
        %dma_wait3A_426 = arith.constant 0 : i32
        %dma_wait3A_427 = tpu.memref_slice %arg10[%dma_wait3A, %dma_wait3A_426] : memref<8x1024xi32, #tpu.memory_space<vmem>> -> memref<1x256xi32, #tpu.memory_space<vmem>>
        %dma_wait3A_428 = tpu.memref_squeeze %dma_wait3A_427 : memref<1x256xi32, #tpu.memory_space<vmem>> -> memref<256xi32, #tpu.memory_space<vmem>>
        %dma_wait3A_429 = arith.constant 0 : i32
        %dma_wait3A_430 = arith.constant 0 : i32
        %dma_wait3A_431 = tpu.memref_slice %arg3[%dma_wait3A_429, %dma_wait3A_430] : memref<8388608x2xf32, #tpu.memory_space<hbm>> -> memref<8388608x2xf32, #tpu.memory_space<hbm>>
        tpu.wait_indirect_dma semaphore(%arg14 : memref<!tpu.dma_semaphore, #tpu.memory_space<semaphore_mem>>) src(%dma_wait3A_431 : memref<8388608x2xf32, #tpu.memory_space<hbm>>) dst(%dma_wait3A_425 : memref<256x2xf32, #tpu.memory_space<vmem>>)
        %dma_wait3A_432 = arith.constant 0 : i32
        %dma_wait3A_433 = arith.constant 0 : i32
        %dma_wait3A_434 = arith.constant 256 : i32
        %dma_wait3A_435 = arith.constant 0 : i32
        %dma_wait3A_436 = tpu.memref_slice %arg11[%dma_wait3A_433, %dma_wait3A_434, %dma_wait3A_435] : memref<8x1024x2xf32, #tpu.memory_space<vmem>> -> memref<1x256x2xf32, #tpu.memory_space<vmem>>
        %dma_wait3A_437 = tpu.memref_squeeze %dma_wait3A_436 : memref<1x256x2xf32, #tpu.memory_space<vmem>> -> memref<256x2xf32, #tpu.memory_space<vmem>>
        %dma_wait3A_438 = arith.constant 256 : i32
        %dma_wait3A_439 = tpu.memref_slice %arg10[%dma_wait3A_432, %dma_wait3A_438] : memref<8x1024xi32, #tpu.memory_space<vmem>> -> memref<1x256xi32, #tpu.memory_space<vmem>>
        %dma_wait3A_440 = tpu.memref_squeeze %dma_wait3A_439 : memref<1x256xi32, #tpu.memory_space<vmem>> -> memref<256xi32, #tpu.memory_space<vmem>>
        %dma_wait3A_441 = arith.constant 0 : i32
        %dma_wait3A_442 = arith.constant 0 : i32
        %dma_wait3A_443 = tpu.memref_slice %arg3[%dma_wait3A_441, %dma_wait3A_442] : memref<8388608x2xf32, #tpu.memory_space<hbm>> -> memref<8388608x2xf32, #tpu.memory_space<hbm>>
        tpu.wait_indirect_dma semaphore(%arg14 : memref<!tpu.dma_semaphore, #tpu.memory_space<semaphore_mem>>) src(%dma_wait3A_443 : memref<8388608x2xf32, #tpu.memory_space<hbm>>) dst(%dma_wait3A_437 : memref<256x2xf32, #tpu.memory_space<vmem>>)
        %dma_wait3A_444 = arith.constant 0 : i32
        %dma_wait3A_445 = arith.constant 0 : i32
        %dma_wait3A_446 = arith.constant 512 : i32
        %dma_wait3A_447 = arith.constant 0 : i32
        %dma_wait3A_448 = tpu.memref_slice %arg11[%dma_wait3A_445, %dma_wait3A_446, %dma_wait3A_447] : memref<8x1024x2xf32, #tpu.memory_space<vmem>> -> memref<1x256x2xf32, #tpu.memory_space<vmem>>
        %dma_wait3A_449 = tpu.memref_squeeze %dma_wait3A_448 : memref<1x256x2xf32, #tpu.memory_space<vmem>> -> memref<256x2xf32, #tpu.memory_space<vmem>>
        %dma_wait3A_450 = arith.constant 512 : i32
        %dma_wait3A_451 = tpu.memref_slice %arg10[%dma_wait3A_444, %dma_wait3A_450] : memref<8x1024xi32, #tpu.memory_space<vmem>> -> memref<1x256xi32, #tpu.memory_space<vmem>>
        %dma_wait3A_452 = tpu.memref_squeeze %dma_wait3A_451 : memref<1x256xi32, #tpu.memory_space<vmem>> -> memref<256xi32, #tpu.memory_space<vmem>>
        %dma_wait3A_453 = arith.constant 0 : i32
        %dma_wait3A_454 = arith.constant 0 : i32
        %dma_wait3A_455 = tpu.memref_slice %arg3[%dma_wait3A_453, %dma_wait3A_454] : memref<8388608x2xf32, #tpu.memory_space<hbm>> -> memref<8388608x2xf32, #tpu.memory_space<hbm>>
        tpu.wait_indirect_dma semaphore(%arg14 : memref<!tpu.dma_semaphore, #tpu.memory_space<semaphore_mem>>) src(%dma_wait3A_455 : memref<8388608x2xf32, #tpu.memory_space<hbm>>) dst(%dma_wait3A_449 : memref<256x2xf32, #tpu.memory_space<vmem>>)
        %dma_wait3A_456 = arith.constant 0 : i32
        %dma_wait3A_457 = arith.constant 0 : i32
        %dma_wait3A_458 = arith.constant 768 : i32
        %dma_wait3A_459 = arith.constant 0 : i32
        %dma_wait3A_460 = tpu.memref_slice %arg11[%dma_wait3A_457, %dma_wait3A_458, %dma_wait3A_459] : memref<8x1024x2xf32, #tpu.memory_space<vmem>> -> memref<1x256x2xf32, #tpu.memory_space<vmem>>
        %dma_wait3A_461 = tpu.memref_squeeze %dma_wait3A_460 : memref<1x256x2xf32, #tpu.memory_space<vmem>> -> memref<256x2xf32, #tpu.memory_space<vmem>>
        %dma_wait3A_462 = arith.constant 768 : i32
        %dma_wait3A_463 = tpu.memref_slice %arg10[%dma_wait3A_456, %dma_wait3A_462] : memref<8x1024xi32, #tpu.memory_space<vmem>> -> memref<1x256xi32, #tpu.memory_space<vmem>>
        %dma_wait3A_464 = tpu.memref_squeeze %dma_wait3A_463 : memref<1x256xi32, #tpu.memory_space<vmem>> -> memref<256xi32, #tpu.memory_space<vmem>>
        %dma_wait3A_465 = arith.constant 0 : i32
        %dma_wait3A_466 = arith.constant 0 : i32
        %dma_wait3A_467 = tpu.memref_slice %arg3[%dma_wait3A_465, %dma_wait3A_466] : memref<8388608x2xf32, #tpu.memory_space<hbm>> -> memref<8388608x2xf32, #tpu.memory_space<hbm>>
        tpu.wait_indirect_dma semaphore(%arg14 : memref<!tpu.dma_semaphore, #tpu.memory_space<semaphore_mem>>) src(%dma_wait3A_467 : memref<8388608x2xf32, #tpu.memory_space<hbm>>) dst(%dma_wait3A_461 : memref<256x2xf32, #tpu.memory_space<vmem>>)
        %dma_wait3A_468 = arith.constant 1 : i32
        %dma_wait3A_469 = arith.constant 1 : i32
        %dma_wait3A_470 = arith.constant 0 : i32
        %dma_wait3A_471 = arith.constant 0 : i32
        %dma_wait3A_472 = tpu.memref_slice %arg11[%dma_wait3A_469, %dma_wait3A_470, %dma_wait3A_471] : memref<8x1024x2xf32, #tpu.memory_space<vmem>> -> memref<1x256x2xf32, #tpu.memory_space<vmem>>
        %dma_wait3A_473 = tpu.memref_squeeze %dma_wait3A_472 : memref<1x256x2xf32, #tpu.memory_space<vmem>> -> memref<256x2xf32, #tpu.memory_space<vmem>>
        %dma_wait3A_474 = arith.constant 0 : i32
        %dma_wait3A_475 = tpu.memref_slice %arg10[%dma_wait3A_468, %dma_wait3A_474] : memref<8x1024xi32, #tpu.memory_space<vmem>> -> memref<1x256xi32, #tpu.memory_space<vmem>>
        %dma_wait3A_476 = tpu.memref_squeeze %dma_wait3A_475 : memref<1x256xi32, #tpu.memory_space<vmem>> -> memref<256xi32, #tpu.memory_space<vmem>>
        %dma_wait3A_477 = arith.constant 0 : i32
        %dma_wait3A_478 = arith.constant 0 : i32
        %dma_wait3A_479 = tpu.memref_slice %arg3[%dma_wait3A_477, %dma_wait3A_478] : memref<8388608x2xf32, #tpu.memory_space<hbm>> -> memref<8388608x2xf32, #tpu.memory_space<hbm>>
        tpu.wait_indirect_dma semaphore(%arg14 : memref<!tpu.dma_semaphore, #tpu.memory_space<semaphore_mem>>) src(%dma_wait3A_479 : memref<8388608x2xf32, #tpu.memory_space<hbm>>) dst(%dma_wait3A_473 : memref<256x2xf32, #tpu.memory_space<vmem>>)
        %dma_wait3A_480 = arith.constant 1 : i32
        %dma_wait3A_481 = arith.constant 1 : i32
        %dma_wait3A_482 = arith.constant 256 : i32
        %dma_wait3A_483 = arith.constant 0 : i32
        %dma_wait3A_484 = tpu.memref_slice %arg11[%dma_wait3A_481, %dma_wait3A_482, %dma_wait3A_483] : memref<8x1024x2xf32, #tpu.memory_space<vmem>> -> memref<1x256x2xf32, #tpu.memory_space<vmem>>
        %dma_wait3A_485 = tpu.memref_squeeze %dma_wait3A_484 : memref<1x256x2xf32, #tpu.memory_space<vmem>> -> memref<256x2xf32, #tpu.memory_space<vmem>>
        %dma_wait3A_486 = arith.constant 256 : i32
        %dma_wait3A_487 = tpu.memref_slice %arg10[%dma_wait3A_480, %dma_wait3A_486] : memref<8x1024xi32, #tpu.memory_space<vmem>> -> memref<1x256xi32, #tpu.memory_space<vmem>>
        %dma_wait3A_488 = tpu.memref_squeeze %dma_wait3A_487 : memref<1x256xi32, #tpu.memory_space<vmem>> -> memref<256xi32, #tpu.memory_space<vmem>>
        %dma_wait3A_489 = arith.constant 0 : i32
        %dma_wait3A_490 = arith.constant 0 : i32
        %dma_wait3A_491 = tpu.memref_slice %arg3[%dma_wait3A_489, %dma_wait3A_490] : memref<8388608x2xf32, #tpu.memory_space<hbm>> -> memref<8388608x2xf32, #tpu.memory_space<hbm>>
        tpu.wait_indirect_dma semaphore(%arg14 : memref<!tpu.dma_semaphore, #tpu.memory_space<semaphore_mem>>) src(%dma_wait3A_491 : memref<8388608x2xf32, #tpu.memory_space<hbm>>) dst(%dma_wait3A_485 : memref<256x2xf32, #tpu.memory_space<vmem>>)
        %dma_wait3A_492 = arith.constant 1 : i32
        %dma_wait3A_493 = arith.constant 1 : i32
        %dma_wait3A_494 = arith.constant 512 : i32
        %dma_wait3A_495 = arith.constant 0 : i32
        %dma_wait3A_496 = tpu.memref_slice %arg11[%dma_wait3A_493, %dma_wait3A_494, %dma_wait3A_495] : memref<8x1024x2xf32, #tpu.memory_space<vmem>> -> memref<1x256x2xf32, #tpu.memory_space<vmem>>
        %dma_wait3A_497 = tpu.memref_squeeze %dma_wait3A_496 : memref<1x256x2xf32, #tpu.memory_space<vmem>> -> memref<256x2xf32, #tpu.memory_space<vmem>>
        %dma_wait3A_498 = arith.constant 512 : i32
        %dma_wait3A_499 = tpu.memref_slice %arg10[%dma_wait3A_492, %dma_wait3A_498] : memref<8x1024xi32, #tpu.memory_space<vmem>> -> memref<1x256xi32, #tpu.memory_space<vmem>>
        %dma_wait3A_500 = tpu.memref_squeeze %dma_wait3A_499 : memref<1x256xi32, #tpu.memory_space<vmem>> -> memref<256xi32, #tpu.memory_space<vmem>>
        %dma_wait3A_501 = arith.constant 0 : i32
        %dma_wait3A_502 = arith.constant 0 : i32
        %dma_wait3A_503 = tpu.memref_slice %arg3[%dma_wait3A_501, %dma_wait3A_502] : memref<8388608x2xf32, #tpu.memory_space<hbm>> -> memref<8388608x2xf32, #tpu.memory_space<hbm>>
        tpu.wait_indirect_dma semaphore(%arg14 : memref<!tpu.dma_semaphore, #tpu.memory_space<semaphore_mem>>) src(%dma_wait3A_503 : memref<8388608x2xf32, #tpu.memory_space<hbm>>) dst(%dma_wait3A_497 : memref<256x2xf32, #tpu.memory_space<vmem>>)
        %dma_wait3A_504 = arith.constant 1 : i32
        %dma_wait3A_505 = arith.constant 1 : i32
        %dma_wait3A_506 = arith.constant 768 : i32
        %dma_wait3A_507 = arith.constant 0 : i32
        %dma_wait3A_508 = tpu.memref_slice %arg11[%dma_wait3A_505, %dma_wait3A_506, %dma_wait3A_507] : memref<8x1024x2xf32, #tpu.memory_space<vmem>> -> memref<1x256x2xf32, #tpu.memory_space<vmem>>
        %dma_wait3A_509 = tpu.memref_squeeze %dma_wait3A_508 : memref<1x256x2xf32, #tpu.memory_space<vmem>> -> memref<256x2xf32, #tpu.memory_space<vmem>>
        %dma_wait3A_510 = arith.constant 768 : i32
        %dma_wait3A_511 = tpu.memref_slice %arg10[%dma_wait3A_504, %dma_wait3A_510] : memref<8x1024xi32, #tpu.memory_space<vmem>> -> memref<1x256xi32, #tpu.memory_space<vmem>>
        %dma_wait3A_512 = tpu.memref_squeeze %dma_wait3A_511 : memref<1x256xi32, #tpu.memory_space<vmem>> -> memref<256xi32, #tpu.memory_space<vmem>>
        %dma_wait3A_513 = arith.constant 0 : i32
        %dma_wait3A_514 = arith.constant 0 : i32
        %dma_wait3A_515 = tpu.memref_slice %arg3[%dma_wait3A_513, %dma_wait3A_514] : memref<8388608x2xf32, #tpu.memory_space<hbm>> -> memref<8388608x2xf32, #tpu.memory_space<hbm>>
        tpu.wait_indirect_dma semaphore(%arg14 : memref<!tpu.dma_semaphore, #tpu.memory_space<semaphore_mem>>) src(%dma_wait3A_515 : memref<8388608x2xf32, #tpu.memory_space<hbm>>) dst(%dma_wait3A_509 : memref<256x2xf32, #tpu.memory_space<vmem>>)
        %dma_wait3A_516 = arith.constant 2 : i32
        %dma_wait3A_517 = arith.constant 2 : i32
        %dma_wait3A_518 = arith.constant 0 : i32
        %dma_wait3A_519 = arith.constant 0 : i32
        %dma_wait3A_520 = tpu.memref_slice %arg11[%dma_wait3A_517, %dma_wait3A_518, %dma_wait3A_519] : memref<8x1024x2xf32, #tpu.memory_space<vmem>> -> memref<1x256x2xf32, #tpu.memory_space<vmem>>
        %dma_wait3A_521 = tpu.memref_squeeze %dma_wait3A_520 : memref<1x256x2xf32, #tpu.memory_space<vmem>> -> memref<256x2xf32, #tpu.memory_space<vmem>>
        %dma_wait3A_522 = arith.constant 0 : i32
        %dma_wait3A_523 = tpu.memref_slice %arg10[%dma_wait3A_516, %dma_wait3A_522] : memref<8x1024xi32, #tpu.memory_space<vmem>> -> memref<1x256xi32, #tpu.memory_space<vmem>>
        %dma_wait3A_524 = tpu.memref_squeeze %dma_wait3A_523 : memref<1x256xi32, #tpu.memory_space<vmem>> -> memref<256xi32, #tpu.memory_space<vmem>>
        %dma_wait3A_525 = arith.constant 0 : i32
        %dma_wait3A_526 = arith.constant 0 : i32
        %dma_wait3A_527 = tpu.memref_slice %arg3[%dma_wait3A_525, %dma_wait3A_526] : memref<8388608x2xf32, #tpu.memory_space<hbm>> -> memref<8388608x2xf32, #tpu.memory_space<hbm>>
        tpu.wait_indirect_dma semaphore(%arg14 : memref<!tpu.dma_semaphore, #tpu.memory_space<semaphore_mem>>) src(%dma_wait3A_527 : memref<8388608x2xf32, #tpu.memory_space<hbm>>) dst(%dma_wait3A_521 : memref<256x2xf32, #tpu.memory_space<vmem>>)
        %dma_wait3A_528 = arith.constant 2 : i32
        %dma_wait3A_529 = arith.constant 2 : i32
        %dma_wait3A_530 = arith.constant 256 : i32
        %dma_wait3A_531 = arith.constant 0 : i32
        %dma_wait3A_532 = tpu.memref_slice %arg11[%dma_wait3A_529, %dma_wait3A_530, %dma_wait3A_531] : memref<8x1024x2xf32, #tpu.memory_space<vmem>> -> memref<1x256x2xf32, #tpu.memory_space<vmem>>
        %dma_wait3A_533 = tpu.memref_squeeze %dma_wait3A_532 : memref<1x256x2xf32, #tpu.memory_space<vmem>> -> memref<256x2xf32, #tpu.memory_space<vmem>>
        %dma_wait3A_534 = arith.constant 256 : i32
        %dma_wait3A_535 = tpu.memref_slice %arg10[%dma_wait3A_528, %dma_wait3A_534] : memref<8x1024xi32, #tpu.memory_space<vmem>> -> memref<1x256xi32, #tpu.memory_space<vmem>>
        %dma_wait3A_536 = tpu.memref_squeeze %dma_wait3A_535 : memref<1x256xi32, #tpu.memory_space<vmem>> -> memref<256xi32, #tpu.memory_space<vmem>>
        %dma_wait3A_537 = arith.constant 0 : i32
        %dma_wait3A_538 = arith.constant 0 : i32
        %dma_wait3A_539 = tpu.memref_slice %arg3[%dma_wait3A_537, %dma_wait3A_538] : memref<8388608x2xf32, #tpu.memory_space<hbm>> -> memref<8388608x2xf32, #tpu.memory_space<hbm>>
        tpu.wait_indirect_dma semaphore(%arg14 : memref<!tpu.dma_semaphore, #tpu.memory_space<semaphore_mem>>) src(%dma_wait3A_539 : memref<8388608x2xf32, #tpu.memory_space<hbm>>) dst(%dma_wait3A_533 : memref<256x2xf32, #tpu.memory_space<vmem>>)
        %dma_wait3A_540 = arith.constant 2 : i32
        %dma_wait3A_541 = arith.constant 2 : i32
        %dma_wait3A_542 = arith.constant 512 : i32
        %dma_wait3A_543 = arith.constant 0 : i32
        %dma_wait3A_544 = tpu.memref_slice %arg11[%dma_wait3A_541, %dma_wait3A_542, %dma_wait3A_543] : memref<8x1024x2xf32, #tpu.memory_space<vmem>> -> memref<1x256x2xf32, #tpu.memory_space<vmem>>
        %dma_wait3A_545 = tpu.memref_squeeze %dma_wait3A_544 : memref<1x256x2xf32, #tpu.memory_space<vmem>> -> memref<256x2xf32, #tpu.memory_space<vmem>>
        %dma_wait3A_546 = arith.constant 512 : i32
        %dma_wait3A_547 = tpu.memref_slice %arg10[%dma_wait3A_540, %dma_wait3A_546] : memref<8x1024xi32, #tpu.memory_space<vmem>> -> memref<1x256xi32, #tpu.memory_space<vmem>>
        %dma_wait3A_548 = tpu.memref_squeeze %dma_wait3A_547 : memref<1x256xi32, #tpu.memory_space<vmem>> -> memref<256xi32, #tpu.memory_space<vmem>>
        %dma_wait3A_549 = arith.constant 0 : i32
        %dma_wait3A_550 = arith.constant 0 : i32
        %dma_wait3A_551 = tpu.memref_slice %arg3[%dma_wait3A_549, %dma_wait3A_550] : memref<8388608x2xf32, #tpu.memory_space<hbm>> -> memref<8388608x2xf32, #tpu.memory_space<hbm>>
        tpu.wait_indirect_dma semaphore(%arg14 : memref<!tpu.dma_semaphore, #tpu.memory_space<semaphore_mem>>) src(%dma_wait3A_551 : memref<8388608x2xf32, #tpu.memory_space<hbm>>) dst(%dma_wait3A_545 : memref<256x2xf32, #tpu.memory_space<vmem>>)
        %dma_wait3A_552 = arith.constant 2 : i32
        %dma_wait3A_553 = arith.constant 2 : i32
        %dma_wait3A_554 = arith.constant 768 : i32
        %dma_wait3A_555 = arith.constant 0 : i32
        %dma_wait3A_556 = tpu.memref_slice %arg11[%dma_wait3A_553, %dma_wait3A_554, %dma_wait3A_555] : memref<8x1024x2xf32, #tpu.memory_space<vmem>> -> memref<1x256x2xf32, #tpu.memory_space<vmem>>
        %dma_wait3A_557 = tpu.memref_squeeze %dma_wait3A_556 : memref<1x256x2xf32, #tpu.memory_space<vmem>> -> memref<256x2xf32, #tpu.memory_space<vmem>>
        %dma_wait3A_558 = arith.constant 768 : i32
        %dma_wait3A_559 = tpu.memref_slice %arg10[%dma_wait3A_552, %dma_wait3A_558] : memref<8x1024xi32, #tpu.memory_space<vmem>> -> memref<1x256xi32, #tpu.memory_space<vmem>>
        %dma_wait3A_560 = tpu.memref_squeeze %dma_wait3A_559 : memref<1x256xi32, #tpu.memory_space<vmem>> -> memref<256xi32, #tpu.memory_space<vmem>>
        %dma_wait3A_561 = arith.constant 0 : i32
        %dma_wait3A_562 = arith.constant 0 : i32
        %dma_wait3A_563 = tpu.memref_slice %arg3[%dma_wait3A_561, %dma_wait3A_562] : memref<8388608x2xf32, #tpu.memory_space<hbm>> -> memref<8388608x2xf32, #tpu.memory_space<hbm>>
        tpu.wait_indirect_dma semaphore(%arg14 : memref<!tpu.dma_semaphore, #tpu.memory_space<semaphore_mem>>) src(%dma_wait3A_563 : memref<8388608x2xf32, #tpu.memory_space<hbm>>) dst(%dma_wait3A_557 : memref<256x2xf32, #tpu.memory_space<vmem>>)
        %dma_wait3A_564 = arith.constant 3 : i32
        %dma_wait3A_565 = arith.constant 3 : i32
        %dma_wait3A_566 = arith.constant 0 : i32
        %dma_wait3A_567 = arith.constant 0 : i32
        %dma_wait3A_568 = tpu.memref_slice %arg11[%dma_wait3A_565, %dma_wait3A_566, %dma_wait3A_567] : memref<8x1024x2xf32, #tpu.memory_space<vmem>> -> memref<1x256x2xf32, #tpu.memory_space<vmem>>
        %dma_wait3A_569 = tpu.memref_squeeze %dma_wait3A_568 : memref<1x256x2xf32, #tpu.memory_space<vmem>> -> memref<256x2xf32, #tpu.memory_space<vmem>>
        %dma_wait3A_570 = arith.constant 0 : i32
        %dma_wait3A_571 = tpu.memref_slice %arg10[%dma_wait3A_564, %dma_wait3A_570] : memref<8x1024xi32, #tpu.memory_space<vmem>> -> memref<1x256xi32, #tpu.memory_space<vmem>>
        %dma_wait3A_572 = tpu.memref_squeeze %dma_wait3A_571 : memref<1x256xi32, #tpu.memory_space<vmem>> -> memref<256xi32, #tpu.memory_space<vmem>>
        %dma_wait3A_573 = arith.constant 0 : i32
        %dma_wait3A_574 = arith.constant 0 : i32
        %dma_wait3A_575 = tpu.memref_slice %arg3[%dma_wait3A_573, %dma_wait3A_574] : memref<8388608x2xf32, #tpu.memory_space<hbm>> -> memref<8388608x2xf32, #tpu.memory_space<hbm>>
        tpu.wait_indirect_dma semaphore(%arg14 : memref<!tpu.dma_semaphore, #tpu.memory_space<semaphore_mem>>) src(%dma_wait3A_575 : memref<8388608x2xf32, #tpu.memory_space<hbm>>) dst(%dma_wait3A_569 : memref<256x2xf32, #tpu.memory_space<vmem>>)
        %dma_wait3A_576 = arith.constant 3 : i32
        %dma_wait3A_577 = arith.constant 3 : i32
        %dma_wait3A_578 = arith.constant 256 : i32
        %dma_wait3A_579 = arith.constant 0 : i32
        %dma_wait3A_580 = tpu.memref_slice %arg11[%dma_wait3A_577, %dma_wait3A_578, %dma_wait3A_579] : memref<8x1024x2xf32, #tpu.memory_space<vmem>> -> memref<1x256x2xf32, #tpu.memory_space<vmem>>
        %dma_wait3A_581 = tpu.memref_squeeze %dma_wait3A_580 : memref<1x256x2xf32, #tpu.memory_space<vmem>> -> memref<256x2xf32, #tpu.memory_space<vmem>>
        %dma_wait3A_582 = arith.constant 256 : i32
        %dma_wait3A_583 = tpu.memref_slice %arg10[%dma_wait3A_576, %dma_wait3A_582] : memref<8x1024xi32, #tpu.memory_space<vmem>> -> memref<1x256xi32, #tpu.memory_space<vmem>>
        %dma_wait3A_584 = tpu.memref_squeeze %dma_wait3A_583 : memref<1x256xi32, #tpu.memory_space<vmem>> -> memref<256xi32, #tpu.memory_space<vmem>>
        %dma_wait3A_585 = arith.constant 0 : i32
        %dma_wait3A_586 = arith.constant 0 : i32
        %dma_wait3A_587 = tpu.memref_slice %arg3[%dma_wait3A_585, %dma_wait3A_586] : memref<8388608x2xf32, #tpu.memory_space<hbm>> -> memref<8388608x2xf32, #tpu.memory_space<hbm>>
        tpu.wait_indirect_dma semaphore(%arg14 : memref<!tpu.dma_semaphore, #tpu.memory_space<semaphore_mem>>) src(%dma_wait3A_587 : memref<8388608x2xf32, #tpu.memory_space<hbm>>) dst(%dma_wait3A_581 : memref<256x2xf32, #tpu.memory_space<vmem>>)
        %dma_wait3A_588 = arith.constant 3 : i32
        %dma_wait3A_589 = arith.constant 3 : i32
        %dma_wait3A_590 = arith.constant 512 : i32
        %dma_wait3A_591 = arith.constant 0 : i32
        %dma_wait3A_592 = tpu.memref_slice %arg11[%dma_wait3A_589, %dma_wait3A_590, %dma_wait3A_591] : memref<8x1024x2xf32, #tpu.memory_space<vmem>> -> memref<1x256x2xf32, #tpu.memory_space<vmem>>
        %dma_wait3A_593 = tpu.memref_squeeze %dma_wait3A_592 : memref<1x256x2xf32, #tpu.memory_space<vmem>> -> memref<256x2xf32, #tpu.memory_space<vmem>>
        %dma_wait3A_594 = arith.constant 512 : i32
        %dma_wait3A_595 = tpu.memref_slice %arg10[%dma_wait3A_588, %dma_wait3A_594] : memref<8x1024xi32, #tpu.memory_space<vmem>> -> memref<1x256xi32, #tpu.memory_space<vmem>>
        %dma_wait3A_596 = tpu.memref_squeeze %dma_wait3A_595 : memref<1x256xi32, #tpu.memory_space<vmem>> -> memref<256xi32, #tpu.memory_space<vmem>>
        %dma_wait3A_597 = arith.constant 0 : i32
        %dma_wait3A_598 = arith.constant 0 : i32
        %dma_wait3A_599 = tpu.memref_slice %arg3[%dma_wait3A_597, %dma_wait3A_598] : memref<8388608x2xf32, #tpu.memory_space<hbm>> -> memref<8388608x2xf32, #tpu.memory_space<hbm>>
        tpu.wait_indirect_dma semaphore(%arg14 : memref<!tpu.dma_semaphore, #tpu.memory_space<semaphore_mem>>) src(%dma_wait3A_599 : memref<8388608x2xf32, #tpu.memory_space<hbm>>) dst(%dma_wait3A_593 : memref<256x2xf32, #tpu.memory_space<vmem>>)
        %dma_wait3A_600 = arith.constant 3 : i32
        %dma_wait3A_601 = arith.constant 3 : i32
        %dma_wait3A_602 = arith.constant 768 : i32
        %dma_wait3A_603 = arith.constant 0 : i32
        %dma_wait3A_604 = tpu.memref_slice %arg11[%dma_wait3A_601, %dma_wait3A_602, %dma_wait3A_603] : memref<8x1024x2xf32, #tpu.memory_space<vmem>> -> memref<1x256x2xf32, #tpu.memory_space<vmem>>
        %dma_wait3A_605 = tpu.memref_squeeze %dma_wait3A_604 : memref<1x256x2xf32, #tpu.memory_space<vmem>> -> memref<256x2xf32, #tpu.memory_space<vmem>>
        %dma_wait3A_606 = arith.constant 768 : i32
        %dma_wait3A_607 = tpu.memref_slice %arg10[%dma_wait3A_600, %dma_wait3A_606] : memref<8x1024xi32, #tpu.memory_space<vmem>> -> memref<1x256xi32, #tpu.memory_space<vmem>>
        %dma_wait3A_608 = tpu.memref_squeeze %dma_wait3A_607 : memref<1x256xi32, #tpu.memory_space<vmem>> -> memref<256xi32, #tpu.memory_space<vmem>>
        %dma_wait3A_609 = arith.constant 0 : i32
        %dma_wait3A_610 = arith.constant 0 : i32
        %dma_wait3A_611 = tpu.memref_slice %arg3[%dma_wait3A_609, %dma_wait3A_610] : memref<8388608x2xf32, #tpu.memory_space<hbm>> -> memref<8388608x2xf32, #tpu.memory_space<hbm>>
        tpu.wait_indirect_dma semaphore(%arg14 : memref<!tpu.dma_semaphore, #tpu.memory_space<semaphore_mem>>) src(%dma_wait3A_611 : memref<8388608x2xf32, #tpu.memory_space<hbm>>) dst(%dma_wait3A_605 : memref<256x2xf32, #tpu.memory_space<vmem>>)
        %dma_wait3A_612 = arith.constant 4 : i32
        %dma_wait3A_613 = arith.constant 4 : i32
        %dma_wait3A_614 = arith.constant 0 : i32
        %dma_wait3A_615 = arith.constant 0 : i32
        %dma_wait3A_616 = tpu.memref_slice %arg11[%dma_wait3A_613, %dma_wait3A_614, %dma_wait3A_615] : memref<8x1024x2xf32, #tpu.memory_space<vmem>> -> memref<1x256x2xf32, #tpu.memory_space<vmem>>
        %dma_wait3A_617 = tpu.memref_squeeze %dma_wait3A_616 : memref<1x256x2xf32, #tpu.memory_space<vmem>> -> memref<256x2xf32, #tpu.memory_space<vmem>>
        %dma_wait3A_618 = arith.constant 0 : i32
        %dma_wait3A_619 = tpu.memref_slice %arg10[%dma_wait3A_612, %dma_wait3A_618] : memref<8x1024xi32, #tpu.memory_space<vmem>> -> memref<1x256xi32, #tpu.memory_space<vmem>>
        %dma_wait3A_620 = tpu.memref_squeeze %dma_wait3A_619 : memref<1x256xi32, #tpu.memory_space<vmem>> -> memref<256xi32, #tpu.memory_space<vmem>>
        %dma_wait3A_621 = arith.constant 0 : i32
        %dma_wait3A_622 = arith.constant 0 : i32
        %dma_wait3A_623 = tpu.memref_slice %arg3[%dma_wait3A_621, %dma_wait3A_622] : memref<8388608x2xf32, #tpu.memory_space<hbm>> -> memref<8388608x2xf32, #tpu.memory_space<hbm>>
        tpu.wait_indirect_dma semaphore(%arg14 : memref<!tpu.dma_semaphore, #tpu.memory_space<semaphore_mem>>) src(%dma_wait3A_623 : memref<8388608x2xf32, #tpu.memory_space<hbm>>) dst(%dma_wait3A_617 : memref<256x2xf32, #tpu.memory_space<vmem>>)
        %dma_wait3A_624 = arith.constant 4 : i32
        %dma_wait3A_625 = arith.constant 4 : i32
        %dma_wait3A_626 = arith.constant 256 : i32
        %dma_wait3A_627 = arith.constant 0 : i32
        %dma_wait3A_628 = tpu.memref_slice %arg11[%dma_wait3A_625, %dma_wait3A_626, %dma_wait3A_627] : memref<8x1024x2xf32, #tpu.memory_space<vmem>> -> memref<1x256x2xf32, #tpu.memory_space<vmem>>
        %dma_wait3A_629 = tpu.memref_squeeze %dma_wait3A_628 : memref<1x256x2xf32, #tpu.memory_space<vmem>> -> memref<256x2xf32, #tpu.memory_space<vmem>>
        %dma_wait3A_630 = arith.constant 256 : i32
        %dma_wait3A_631 = tpu.memref_slice %arg10[%dma_wait3A_624, %dma_wait3A_630] : memref<8x1024xi32, #tpu.memory_space<vmem>> -> memref<1x256xi32, #tpu.memory_space<vmem>>
        %dma_wait3A_632 = tpu.memref_squeeze %dma_wait3A_631 : memref<1x256xi32, #tpu.memory_space<vmem>> -> memref<256xi32, #tpu.memory_space<vmem>>
        %dma_wait3A_633 = arith.constant 0 : i32
        %dma_wait3A_634 = arith.constant 0 : i32
        %dma_wait3A_635 = tpu.memref_slice %arg3[%dma_wait3A_633, %dma_wait3A_634] : memref<8388608x2xf32, #tpu.memory_space<hbm>> -> memref<8388608x2xf32, #tpu.memory_space<hbm>>
        tpu.wait_indirect_dma semaphore(%arg14 : memref<!tpu.dma_semaphore, #tpu.memory_space<semaphore_mem>>) src(%dma_wait3A_635 : memref<8388608x2xf32, #tpu.memory_space<hbm>>) dst(%dma_wait3A_629 : memref<256x2xf32, #tpu.memory_space<vmem>>)
        %dma_wait3A_636 = arith.constant 4 : i32
        %dma_wait3A_637 = arith.constant 4 : i32
        %dma_wait3A_638 = arith.constant 512 : i32
        %dma_wait3A_639 = arith.constant 0 : i32
        %dma_wait3A_640 = tpu.memref_slice %arg11[%dma_wait3A_637, %dma_wait3A_638, %dma_wait3A_639] : memref<8x1024x2xf32, #tpu.memory_space<vmem>> -> memref<1x256x2xf32, #tpu.memory_space<vmem>>
        %dma_wait3A_641 = tpu.memref_squeeze %dma_wait3A_640 : memref<1x256x2xf32, #tpu.memory_space<vmem>> -> memref<256x2xf32, #tpu.memory_space<vmem>>
        %dma_wait3A_642 = arith.constant 512 : i32
        %dma_wait3A_643 = tpu.memref_slice %arg10[%dma_wait3A_636, %dma_wait3A_642] : memref<8x1024xi32, #tpu.memory_space<vmem>> -> memref<1x256xi32, #tpu.memory_space<vmem>>
        %dma_wait3A_644 = tpu.memref_squeeze %dma_wait3A_643 : memref<1x256xi32, #tpu.memory_space<vmem>> -> memref<256xi32, #tpu.memory_space<vmem>>
        %dma_wait3A_645 = arith.constant 0 : i32
        %dma_wait3A_646 = arith.constant 0 : i32
        %dma_wait3A_647 = tpu.memref_slice %arg3[%dma_wait3A_645, %dma_wait3A_646] : memref<8388608x2xf32, #tpu.memory_space<hbm>> -> memref<8388608x2xf32, #tpu.memory_space<hbm>>
        tpu.wait_indirect_dma semaphore(%arg14 : memref<!tpu.dma_semaphore, #tpu.memory_space<semaphore_mem>>) src(%dma_wait3A_647 : memref<8388608x2xf32, #tpu.memory_space<hbm>>) dst(%dma_wait3A_641 : memref<256x2xf32, #tpu.memory_space<vmem>>)
        %dma_wait3A_648 = arith.constant 4 : i32
        %dma_wait3A_649 = arith.constant 4 : i32
        %dma_wait3A_650 = arith.constant 768 : i32
        %dma_wait3A_651 = arith.constant 0 : i32
        %dma_wait3A_652 = tpu.memref_slice %arg11[%dma_wait3A_649, %dma_wait3A_650, %dma_wait3A_651] : memref<8x1024x2xf32, #tpu.memory_space<vmem>> -> memref<1x256x2xf32, #tpu.memory_space<vmem>>
        %dma_wait3A_653 = tpu.memref_squeeze %dma_wait3A_652 : memref<1x256x2xf32, #tpu.memory_space<vmem>> -> memref<256x2xf32, #tpu.memory_space<vmem>>
        %dma_wait3A_654 = arith.constant 768 : i32
        %dma_wait3A_655 = tpu.memref_slice %arg10[%dma_wait3A_648, %dma_wait3A_654] : memref<8x1024xi32, #tpu.memory_space<vmem>> -> memref<1x256xi32, #tpu.memory_space<vmem>>
        %dma_wait3A_656 = tpu.memref_squeeze %dma_wait3A_655 : memref<1x256xi32, #tpu.memory_space<vmem>> -> memref<256xi32, #tpu.memory_space<vmem>>
        %dma_wait3A_657 = arith.constant 0 : i32
        %dma_wait3A_658 = arith.constant 0 : i32
        %dma_wait3A_659 = tpu.memref_slice %arg3[%dma_wait3A_657, %dma_wait3A_658] : memref<8388608x2xf32, #tpu.memory_space<hbm>> -> memref<8388608x2xf32, #tpu.memory_space<hbm>>
        tpu.wait_indirect_dma semaphore(%arg14 : memref<!tpu.dma_semaphore, #tpu.memory_space<semaphore_mem>>) src(%dma_wait3A_659 : memref<8388608x2xf32, #tpu.memory_space<hbm>>) dst(%dma_wait3A_653 : memref<256x2xf32, #tpu.memory_space<vmem>>)
        %dma_wait3A_660 = arith.constant 5 : i32
        %dma_wait3A_661 = arith.constant 5 : i32
        %dma_wait3A_662 = arith.constant 0 : i32
        %dma_wait3A_663 = arith.constant 0 : i32
        %dma_wait3A_664 = tpu.memref_slice %arg11[%dma_wait3A_661, %dma_wait3A_662, %dma_wait3A_663] : memref<8x1024x2xf32, #tpu.memory_space<vmem>> -> memref<1x256x2xf32, #tpu.memory_space<vmem>>
        %dma_wait3A_665 = tpu.memref_squeeze %dma_wait3A_664 : memref<1x256x2xf32, #tpu.memory_space<vmem>> -> memref<256x2xf32, #tpu.memory_space<vmem>>
        %dma_wait3A_666 = arith.constant 0 : i32
        %dma_wait3A_667 = tpu.memref_slice %arg10[%dma_wait3A_660, %dma_wait3A_666] : memref<8x1024xi32, #tpu.memory_space<vmem>> -> memref<1x256xi32, #tpu.memory_space<vmem>>
        %dma_wait3A_668 = tpu.memref_squeeze %dma_wait3A_667 : memref<1x256xi32, #tpu.memory_space<vmem>> -> memref<256xi32, #tpu.memory_space<vmem>>
        %dma_wait3A_669 = arith.constant 0 : i32
        %dma_wait3A_670 = arith.constant 0 : i32
        %dma_wait3A_671 = tpu.memref_slice %arg3[%dma_wait3A_669, %dma_wait3A_670] : memref<8388608x2xf32, #tpu.memory_space<hbm>> -> memref<8388608x2xf32, #tpu.memory_space<hbm>>
        tpu.wait_indirect_dma semaphore(%arg14 : memref<!tpu.dma_semaphore, #tpu.memory_space<semaphore_mem>>) src(%dma_wait3A_671 : memref<8388608x2xf32, #tpu.memory_space<hbm>>) dst(%dma_wait3A_665 : memref<256x2xf32, #tpu.memory_space<vmem>>)
        %dma_wait3A_672 = arith.constant 5 : i32
        %dma_wait3A_673 = arith.constant 5 : i32
        %dma_wait3A_674 = arith.constant 256 : i32
        %dma_wait3A_675 = arith.constant 0 : i32
        %dma_wait3A_676 = tpu.memref_slice %arg11[%dma_wait3A_673, %dma_wait3A_674, %dma_wait3A_675] : memref<8x1024x2xf32, #tpu.memory_space<vmem>> -> memref<1x256x2xf32, #tpu.memory_space<vmem>>
        %dma_wait3A_677 = tpu.memref_squeeze %dma_wait3A_676 : memref<1x256x2xf32, #tpu.memory_space<vmem>> -> memref<256x2xf32, #tpu.memory_space<vmem>>
        %dma_wait3A_678 = arith.constant 256 : i32
        %dma_wait3A_679 = tpu.memref_slice %arg10[%dma_wait3A_672, %dma_wait3A_678] : memref<8x1024xi32, #tpu.memory_space<vmem>> -> memref<1x256xi32, #tpu.memory_space<vmem>>
        %dma_wait3A_680 = tpu.memref_squeeze %dma_wait3A_679 : memref<1x256xi32, #tpu.memory_space<vmem>> -> memref<256xi32, #tpu.memory_space<vmem>>
        %dma_wait3A_681 = arith.constant 0 : i32
        %dma_wait3A_682 = arith.constant 0 : i32
        %dma_wait3A_683 = tpu.memref_slice %arg3[%dma_wait3A_681, %dma_wait3A_682] : memref<8388608x2xf32, #tpu.memory_space<hbm>> -> memref<8388608x2xf32, #tpu.memory_space<hbm>>
        tpu.wait_indirect_dma semaphore(%arg14 : memref<!tpu.dma_semaphore, #tpu.memory_space<semaphore_mem>>) src(%dma_wait3A_683 : memref<8388608x2xf32, #tpu.memory_space<hbm>>) dst(%dma_wait3A_677 : memref<256x2xf32, #tpu.memory_space<vmem>>)
        %dma_wait3A_684 = arith.constant 5 : i32
        %dma_wait3A_685 = arith.constant 5 : i32
        %dma_wait3A_686 = arith.constant 512 : i32
        %dma_wait3A_687 = arith.constant 0 : i32
        %dma_wait3A_688 = tpu.memref_slice %arg11[%dma_wait3A_685, %dma_wait3A_686, %dma_wait3A_687] : memref<8x1024x2xf32, #tpu.memory_space<vmem>> -> memref<1x256x2xf32, #tpu.memory_space<vmem>>
        %dma_wait3A_689 = tpu.memref_squeeze %dma_wait3A_688 : memref<1x256x2xf32, #tpu.memory_space<vmem>> -> memref<256x2xf32, #tpu.memory_space<vmem>>
        %dma_wait3A_690 = arith.constant 512 : i32
        %dma_wait3A_691 = tpu.memref_slice %arg10[%dma_wait3A_684, %dma_wait3A_690] : memref<8x1024xi32, #tpu.memory_space<vmem>> -> memref<1x256xi32, #tpu.memory_space<vmem>>
        %dma_wait3A_692 = tpu.memref_squeeze %dma_wait3A_691 : memref<1x256xi32, #tpu.memory_space<vmem>> -> memref<256xi32, #tpu.memory_space<vmem>>
        %dma_wait3A_693 = arith.constant 0 : i32
        %dma_wait3A_694 = arith.constant 0 : i32
        %dma_wait3A_695 = tpu.memref_slice %arg3[%dma_wait3A_693, %dma_wait3A_694] : memref<8388608x2xf32, #tpu.memory_space<hbm>> -> memref<8388608x2xf32, #tpu.memory_space<hbm>>
        tpu.wait_indirect_dma semaphore(%arg14 : memref<!tpu.dma_semaphore, #tpu.memory_space<semaphore_mem>>) src(%dma_wait3A_695 : memref<8388608x2xf32, #tpu.memory_space<hbm>>) dst(%dma_wait3A_689 : memref<256x2xf32, #tpu.memory_space<vmem>>)
        %dma_wait3A_696 = arith.constant 5 : i32
        %dma_wait3A_697 = arith.constant 5 : i32
        %dma_wait3A_698 = arith.constant 768 : i32
        %dma_wait3A_699 = arith.constant 0 : i32
        %dma_wait3A_700 = tpu.memref_slice %arg11[%dma_wait3A_697, %dma_wait3A_698, %dma_wait3A_699] : memref<8x1024x2xf32, #tpu.memory_space<vmem>> -> memref<1x256x2xf32, #tpu.memory_space<vmem>>
        %dma_wait3A_701 = tpu.memref_squeeze %dma_wait3A_700 : memref<1x256x2xf32, #tpu.memory_space<vmem>> -> memref<256x2xf32, #tpu.memory_space<vmem>>
        %dma_wait3A_702 = arith.constant 768 : i32
        %dma_wait3A_703 = tpu.memref_slice %arg10[%dma_wait3A_696, %dma_wait3A_702] : memref<8x1024xi32, #tpu.memory_space<vmem>> -> memref<1x256xi32, #tpu.memory_space<vmem>>
        %dma_wait3A_704 = tpu.memref_squeeze %dma_wait3A_703 : memref<1x256xi32, #tpu.memory_space<vmem>> -> memref<256xi32, #tpu.memory_space<vmem>>
        %dma_wait3A_705 = arith.constant 0 : i32
        %dma_wait3A_706 = arith.constant 0 : i32
        %dma_wait3A_707 = tpu.memref_slice %arg3[%dma_wait3A_705, %dma_wait3A_706] : memref<8388608x2xf32, #tpu.memory_space<hbm>> -> memref<8388608x2xf32, #tpu.memory_space<hbm>>
        tpu.wait_indirect_dma semaphore(%arg14 : memref<!tpu.dma_semaphore, #tpu.memory_space<semaphore_mem>>) src(%dma_wait3A_707 : memref<8388608x2xf32, #tpu.memory_space<hbm>>) dst(%dma_wait3A_701 : memref<256x2xf32, #tpu.memory_space<vmem>>)
        %dma_wait3A_708 = arith.constant 6 : i32
        %dma_wait3A_709 = arith.constant 6 : i32
        %dma_wait3A_710 = arith.constant 0 : i32
        %dma_wait3A_711 = arith.constant 0 : i32
        %dma_wait3A_712 = tpu.memref_slice %arg11[%dma_wait3A_709, %dma_wait3A_710, %dma_wait3A_711] : memref<8x1024x2xf32, #tpu.memory_space<vmem>> -> memref<1x256x2xf32, #tpu.memory_space<vmem>>
        %dma_wait3A_713 = tpu.memref_squeeze %dma_wait3A_712 : memref<1x256x2xf32, #tpu.memory_space<vmem>> -> memref<256x2xf32, #tpu.memory_space<vmem>>
        %dma_wait3A_714 = arith.constant 0 : i32
        %dma_wait3A_715 = tpu.memref_slice %arg10[%dma_wait3A_708, %dma_wait3A_714] : memref<8x1024xi32, #tpu.memory_space<vmem>> -> memref<1x256xi32, #tpu.memory_space<vmem>>
        %dma_wait3A_716 = tpu.memref_squeeze %dma_wait3A_715 : memref<1x256xi32, #tpu.memory_space<vmem>> -> memref<256xi32, #tpu.memory_space<vmem>>
        %dma_wait3A_717 = arith.constant 0 : i32
        %dma_wait3A_718 = arith.constant 0 : i32
        %dma_wait3A_719 = tpu.memref_slice %arg3[%dma_wait3A_717, %dma_wait3A_718] : memref<8388608x2xf32, #tpu.memory_space<hbm>> -> memref<8388608x2xf32, #tpu.memory_space<hbm>>
        tpu.wait_indirect_dma semaphore(%arg14 : memref<!tpu.dma_semaphore, #tpu.memory_space<semaphore_mem>>) src(%dma_wait3A_719 : memref<8388608x2xf32, #tpu.memory_space<hbm>>) dst(%dma_wait3A_713 : memref<256x2xf32, #tpu.memory_space<vmem>>)
        %dma_wait3A_720 = arith.constant 6 : i32
        %dma_wait3A_721 = arith.constant 6 : i32
        %dma_wait3A_722 = arith.constant 256 : i32
        %dma_wait3A_723 = arith.constant 0 : i32
        %dma_wait3A_724 = tpu.memref_slice %arg11[%dma_wait3A_721, %dma_wait3A_722, %dma_wait3A_723] : memref<8x1024x2xf32, #tpu.memory_space<vmem>> -> memref<1x256x2xf32, #tpu.memory_space<vmem>>
        %dma_wait3A_725 = tpu.memref_squeeze %dma_wait3A_724 : memref<1x256x2xf32, #tpu.memory_space<vmem>> -> memref<256x2xf32, #tpu.memory_space<vmem>>
        %dma_wait3A_726 = arith.constant 256 : i32
        %dma_wait3A_727 = tpu.memref_slice %arg10[%dma_wait3A_720, %dma_wait3A_726] : memref<8x1024xi32, #tpu.memory_space<vmem>> -> memref<1x256xi32, #tpu.memory_space<vmem>>
        %dma_wait3A_728 = tpu.memref_squeeze %dma_wait3A_727 : memref<1x256xi32, #tpu.memory_space<vmem>> -> memref<256xi32, #tpu.memory_space<vmem>>
        %dma_wait3A_729 = arith.constant 0 : i32
        %dma_wait3A_730 = arith.constant 0 : i32
        %dma_wait3A_731 = tpu.memref_slice %arg3[%dma_wait3A_729, %dma_wait3A_730] : memref<8388608x2xf32, #tpu.memory_space<hbm>> -> memref<8388608x2xf32, #tpu.memory_space<hbm>>
        tpu.wait_indirect_dma semaphore(%arg14 : memref<!tpu.dma_semaphore, #tpu.memory_space<semaphore_mem>>) src(%dma_wait3A_731 : memref<8388608x2xf32, #tpu.memory_space<hbm>>) dst(%dma_wait3A_725 : memref<256x2xf32, #tpu.memory_space<vmem>>)
        %dma_wait3A_732 = arith.constant 6 : i32
        %dma_wait3A_733 = arith.constant 6 : i32
        %dma_wait3A_734 = arith.constant 512 : i32
        %dma_wait3A_735 = arith.constant 0 : i32
        %dma_wait3A_736 = tpu.memref_slice %arg11[%dma_wait3A_733, %dma_wait3A_734, %dma_wait3A_735] : memref<8x1024x2xf32, #tpu.memory_space<vmem>> -> memref<1x256x2xf32, #tpu.memory_space<vmem>>
        %dma_wait3A_737 = tpu.memref_squeeze %dma_wait3A_736 : memref<1x256x2xf32, #tpu.memory_space<vmem>> -> memref<256x2xf32, #tpu.memory_space<vmem>>
        %dma_wait3A_738 = arith.constant 512 : i32
        %dma_wait3A_739 = tpu.memref_slice %arg10[%dma_wait3A_732, %dma_wait3A_738] : memref<8x1024xi32, #tpu.memory_space<vmem>> -> memref<1x256xi32, #tpu.memory_space<vmem>>
        %dma_wait3A_740 = tpu.memref_squeeze %dma_wait3A_739 : memref<1x256xi32, #tpu.memory_space<vmem>> -> memref<256xi32, #tpu.memory_space<vmem>>
        %dma_wait3A_741 = arith.constant 0 : i32
        %dma_wait3A_742 = arith.constant 0 : i32
        %dma_wait3A_743 = tpu.memref_slice %arg3[%dma_wait3A_741, %dma_wait3A_742] : memref<8388608x2xf32, #tpu.memory_space<hbm>> -> memref<8388608x2xf32, #tpu.memory_space<hbm>>
        tpu.wait_indirect_dma semaphore(%arg14 : memref<!tpu.dma_semaphore, #tpu.memory_space<semaphore_mem>>) src(%dma_wait3A_743 : memref<8388608x2xf32, #tpu.memory_space<hbm>>) dst(%dma_wait3A_737 : memref<256x2xf32, #tpu.memory_space<vmem>>)
        %dma_wait3A_744 = arith.constant 6 : i32
        %dma_wait3A_745 = arith.constant 6 : i32
        %dma_wait3A_746 = arith.constant 768 : i32
        %dma_wait3A_747 = arith.constant 0 : i32
        %dma_wait3A_748 = tpu.memref_slice %arg11[%dma_wait3A_745, %dma_wait3A_746, %dma_wait3A_747] : memref<8x1024x2xf32, #tpu.memory_space<vmem>> -> memref<1x256x2xf32, #tpu.memory_space<vmem>>
        %dma_wait3A_749 = tpu.memref_squeeze %dma_wait3A_748 : memref<1x256x2xf32, #tpu.memory_space<vmem>> -> memref<256x2xf32, #tpu.memory_space<vmem>>
        %dma_wait3A_750 = arith.constant 768 : i32
        %dma_wait3A_751 = tpu.memref_slice %arg10[%dma_wait3A_744, %dma_wait3A_750] : memref<8x1024xi32, #tpu.memory_space<vmem>> -> memref<1x256xi32, #tpu.memory_space<vmem>>
        %dma_wait3A_752 = tpu.memref_squeeze %dma_wait3A_751 : memref<1x256xi32, #tpu.memory_space<vmem>> -> memref<256xi32, #tpu.memory_space<vmem>>
        %dma_wait3A_753 = arith.constant 0 : i32
        %dma_wait3A_754 = arith.constant 0 : i32
        %dma_wait3A_755 = tpu.memref_slice %arg3[%dma_wait3A_753, %dma_wait3A_754] : memref<8388608x2xf32, #tpu.memory_space<hbm>> -> memref<8388608x2xf32, #tpu.memory_space<hbm>>
        tpu.wait_indirect_dma semaphore(%arg14 : memref<!tpu.dma_semaphore, #tpu.memory_space<semaphore_mem>>) src(%dma_wait3A_755 : memref<8388608x2xf32, #tpu.memory_space<hbm>>) dst(%dma_wait3A_749 : memref<256x2xf32, #tpu.memory_space<vmem>>)
        %dma_wait3A_756 = arith.constant 7 : i32
        %dma_wait3A_757 = arith.constant 7 : i32
        %dma_wait3A_758 = arith.constant 0 : i32
        %dma_wait3A_759 = arith.constant 0 : i32
        %dma_wait3A_760 = tpu.memref_slice %arg11[%dma_wait3A_757, %dma_wait3A_758, %dma_wait3A_759] : memref<8x1024x2xf32, #tpu.memory_space<vmem>> -> memref<1x256x2xf32, #tpu.memory_space<vmem>>
        %dma_wait3A_761 = tpu.memref_squeeze %dma_wait3A_760 : memref<1x256x2xf32, #tpu.memory_space<vmem>> -> memref<256x2xf32, #tpu.memory_space<vmem>>
        %dma_wait3A_762 = arith.constant 0 : i32
        %dma_wait3A_763 = tpu.memref_slice %arg10[%dma_wait3A_756, %dma_wait3A_762] : memref<8x1024xi32, #tpu.memory_space<vmem>> -> memref<1x256xi32, #tpu.memory_space<vmem>>
        %dma_wait3A_764 = tpu.memref_squeeze %dma_wait3A_763 : memref<1x256xi32, #tpu.memory_space<vmem>> -> memref<256xi32, #tpu.memory_space<vmem>>
        %dma_wait3A_765 = arith.constant 0 : i32
        %dma_wait3A_766 = arith.constant 0 : i32
        %dma_wait3A_767 = tpu.memref_slice %arg3[%dma_wait3A_765, %dma_wait3A_766] : memref<8388608x2xf32, #tpu.memory_space<hbm>> -> memref<8388608x2xf32, #tpu.memory_space<hbm>>
        tpu.wait_indirect_dma semaphore(%arg14 : memref<!tpu.dma_semaphore, #tpu.memory_space<semaphore_mem>>) src(%dma_wait3A_767 : memref<8388608x2xf32, #tpu.memory_space<hbm>>) dst(%dma_wait3A_761 : memref<256x2xf32, #tpu.memory_space<vmem>>)
        %dma_wait3A_768 = arith.constant 7 : i32
        %dma_wait3A_769 = arith.constant 7 : i32
        %dma_wait3A_770 = arith.constant 256 : i32
        %dma_wait3A_771 = arith.constant 0 : i32
        %dma_wait3A_772 = tpu.memref_slice %arg11[%dma_wait3A_769, %dma_wait3A_770, %dma_wait3A_771] : memref<8x1024x2xf32, #tpu.memory_space<vmem>> -> memref<1x256x2xf32, #tpu.memory_space<vmem>>
        %dma_wait3A_773 = tpu.memref_squeeze %dma_wait3A_772 : memref<1x256x2xf32, #tpu.memory_space<vmem>> -> memref<256x2xf32, #tpu.memory_space<vmem>>
        %dma_wait3A_774 = arith.constant 256 : i32
        %dma_wait3A_775 = tpu.memref_slice %arg10[%dma_wait3A_768, %dma_wait3A_774] : memref<8x1024xi32, #tpu.memory_space<vmem>> -> memref<1x256xi32, #tpu.memory_space<vmem>>
        %dma_wait3A_776 = tpu.memref_squeeze %dma_wait3A_775 : memref<1x256xi32, #tpu.memory_space<vmem>> -> memref<256xi32, #tpu.memory_space<vmem>>
        %dma_wait3A_777 = arith.constant 0 : i32
        %dma_wait3A_778 = arith.constant 0 : i32
        %dma_wait3A_779 = tpu.memref_slice %arg3[%dma_wait3A_777, %dma_wait3A_778] : memref<8388608x2xf32, #tpu.memory_space<hbm>> -> memref<8388608x2xf32, #tpu.memory_space<hbm>>
        tpu.wait_indirect_dma semaphore(%arg14 : memref<!tpu.dma_semaphore, #tpu.memory_space<semaphore_mem>>) src(%dma_wait3A_779 : memref<8388608x2xf32, #tpu.memory_space<hbm>>) dst(%dma_wait3A_773 : memref<256x2xf32, #tpu.memory_space<vmem>>)
        %dma_wait3A_780 = arith.constant 7 : i32
        %dma_wait3A_781 = arith.constant 7 : i32
        %dma_wait3A_782 = arith.constant 512 : i32
        %dma_wait3A_783 = arith.constant 0 : i32
        %dma_wait3A_784 = tpu.memref_slice %arg11[%dma_wait3A_781, %dma_wait3A_782, %dma_wait3A_783] : memref<8x1024x2xf32, #tpu.memory_space<vmem>> -> memref<1x256x2xf32, #tpu.memory_space<vmem>>
        %dma_wait3A_785 = tpu.memref_squeeze %dma_wait3A_784 : memref<1x256x2xf32, #tpu.memory_space<vmem>> -> memref<256x2xf32, #tpu.memory_space<vmem>>
        %dma_wait3A_786 = arith.constant 512 : i32
        %dma_wait3A_787 = tpu.memref_slice %arg10[%dma_wait3A_780, %dma_wait3A_786] : memref<8x1024xi32, #tpu.memory_space<vmem>> -> memref<1x256xi32, #tpu.memory_space<vmem>>
        %dma_wait3A_788 = tpu.memref_squeeze %dma_wait3A_787 : memref<1x256xi32, #tpu.memory_space<vmem>> -> memref<256xi32, #tpu.memory_space<vmem>>
        %dma_wait3A_789 = arith.constant 0 : i32
        %dma_wait3A_790 = arith.constant 0 : i32
        %dma_wait3A_791 = tpu.memref_slice %arg3[%dma_wait3A_789, %dma_wait3A_790] : memref<8388608x2xf32, #tpu.memory_space<hbm>> -> memref<8388608x2xf32, #tpu.memory_space<hbm>>
        tpu.wait_indirect_dma semaphore(%arg14 : memref<!tpu.dma_semaphore, #tpu.memory_space<semaphore_mem>>) src(%dma_wait3A_791 : memref<8388608x2xf32, #tpu.memory_space<hbm>>) dst(%dma_wait3A_785 : memref<256x2xf32, #tpu.memory_space<vmem>>)
        %dma_wait3A_792 = arith.constant 7 : i32
        %dma_wait3A_793 = arith.constant 7 : i32
        %dma_wait3A_794 = arith.constant 768 : i32
        %dma_wait3A_795 = arith.constant 0 : i32
        %dma_wait3A_796 = tpu.memref_slice %arg11[%dma_wait3A_793, %dma_wait3A_794, %dma_wait3A_795] : memref<8x1024x2xf32, #tpu.memory_space<vmem>> -> memref<1x256x2xf32, #tpu.memory_space<vmem>>
        %dma_wait3A_797 = tpu.memref_squeeze %dma_wait3A_796 : memref<1x256x2xf32, #tpu.memory_space<vmem>> -> memref<256x2xf32, #tpu.memory_space<vmem>>
        %dma_wait3A_798 = arith.constant 768 : i32
        %dma_wait3A_799 = tpu.memref_slice %arg10[%dma_wait3A_792, %dma_wait3A_798] : memref<8x1024xi32, #tpu.memory_space<vmem>> -> memref<1x256xi32, #tpu.memory_space<vmem>>
        %dma_wait3A_800 = tpu.memref_squeeze %dma_wait3A_799 : memref<1x256xi32, #tpu.memory_space<vmem>> -> memref<256xi32, #tpu.memory_space<vmem>>
        %dma_wait3A_801 = arith.constant 0 : i32
        %dma_wait3A_802 = arith.constant 0 : i32
        %dma_wait3A_803 = tpu.memref_slice %arg3[%dma_wait3A_801, %dma_wait3A_802] : memref<8388608x2xf32, #tpu.memory_space<hbm>> -> memref<8388608x2xf32, #tpu.memory_space<hbm>>
        tpu.wait_indirect_dma semaphore(%arg14 : memref<!tpu.dma_semaphore, #tpu.memory_space<semaphore_mem>>) src(%dma_wait3A_803 : memref<8388608x2xf32, #tpu.memory_space<hbm>>) dst(%dma_wait3A_797 : memref<256x2xf32, #tpu.memory_space<vmem>>)
        %mul3A_804 = arith.constant 2 : i32
        %mul3A_805 = arith.muli %mul3A_804, %scan3A_27 : i32
        %add3A_806 = vector.broadcast %mul3A_805 : i32 to vector<16xi32>
        %add3A_807 = arith.addi %add3A_806, %and3A_4 : vector<16xi32>
        %scan3A_808 = arith.constant 0 : i32
        %scan3A_809 = arith.constant 0 : i32
        %scan3A_810 = arith.constant 128 : i32
        %scan3A_811 = arith.addi %scan3A_809, %scan3A_810 : i32
        %scan3A_812 = arith.constant 1 : i32
        scf.for %scan3A_814 = %scan3A_809 to %scan3A_811 step %scan3A_812  : i32 {
          %mul3A_815 = arith.constant 8 : i32
          %mul3A_816 = arith.muli %scan3A_814, %mul3A_815 : i32
          %add3A_817 = vector.broadcast %mul3A_816 : i32 to vector<16xi32>
          %add3A_818 = arith.addi %add3A_817, %shift_right_arithmetic3A_2 : vector<16xi32>
          %gather3A = tpu.vector_load_idx %arg7[%add3A_818] : memref<1024xf32, #tpu.memory_space<vmem>>[vector<16xi32>], vector<16xf32>,
          %gather3A_819 = tpu.vector_load_idx %arg8[%add3A_818] : memref<1024xf32, #tpu.memory_space<vmem>>[vector<16xi32>], vector<16xf32>,
          %gather3A_820 = tpu.vector_load_idx %arg9[%add3A_818] : memref<1024xf32, #tpu.memory_space<vmem>>[vector<16xi32>], vector<16xf32>,
          %sub3A = arith.constant 1.000000e+00 : f32
          %sub3A_821 = vector.broadcast %sub3A : f32 to vector<16xf32>
          %sub3A_822 = arith.subf %sub3A_821, %gather3A : vector<16xf32>
          %sub3A_823 = arith.constant 1.000000e+00 : f32
          %sub3A_824 = vector.broadcast %sub3A_823 : f32 to vector<16xf32>
          %sub3A_825 = arith.subf %sub3A_824, %gather3A_819 : vector<16xf32>
          %sub3A_826 = arith.constant 1.000000e+00 : f32
          %sub3A_827 = vector.broadcast %sub3A_826 : f32 to vector<16xf32>
          %sub3A_828 = arith.subf %sub3A_827, %gather3A_820 : vector<16xf32>
          %mul3A_829 = arith.mulf %sub3A_822, %sub3A_825 : vector<16xf32>
          %mul3A_830 = arith.mulf %sub3A_822, %gather3A_819 : vector<16xf32>
          %mul3A_831 = arith.mulf %gather3A, %sub3A_825 : vector<16xf32>
          %mul3A_832 = arith.mulf %gather3A, %gather3A_819 : vector<16xf32>
          %broadcast_in_dim3A_833 = arith.constant 0.000000e+00 : f32
          %broadcast_in_dim3A_834 = vector.broadcast %broadcast_in_dim3A_833 : f32 to vector<16xf32>
          %broadcast_in_dim3A_835 = arith.constant 0 : i32
          %broadcast_in_dim3A_836 = vector.broadcast %broadcast_in_dim3A_835 : i32 to vector<16xi32>
          %gather3A_837 = tpu.vector_load_idx %arg11[%broadcast_in_dim3A_836, %add3A_818, %and3A_4] : memref<8x1024x2xf32, #tpu.memory_space<vmem>>[vector<16xi32>, vector<16xi32>, vector<16xi32>], vector<16xf32>,
          %mul3A_838 = arith.mulf %mul3A_829, %sub3A_828 : vector<16xf32>
          %mul3A_839 = arith.mulf %gather3A_837, %mul3A_838 : vector<16xf32>
          %add3A_840 = arith.addf %broadcast_in_dim3A_834, %mul3A_839 : vector<16xf32>
          %broadcast_in_dim3A_841 = arith.constant 1 : i32
          %broadcast_in_dim3A_842 = vector.broadcast %broadcast_in_dim3A_841 : i32 to vector<16xi32>
          %gather3A_843 = tpu.vector_load_idx %arg11[%broadcast_in_dim3A_842, %add3A_818, %and3A_4] : memref<8x1024x2xf32, #tpu.memory_space<vmem>>[vector<16xi32>, vector<16xi32>, vector<16xi32>], vector<16xf32>,
          %mul3A_844 = arith.mulf %mul3A_829, %gather3A_820 : vector<16xf32>
          %mul3A_845 = arith.mulf %gather3A_843, %mul3A_844 : vector<16xf32>
          %add3A_846 = arith.addf %add3A_840, %mul3A_845 : vector<16xf32>
          %broadcast_in_dim3A_847 = arith.constant 2 : i32
          %broadcast_in_dim3A_848 = vector.broadcast %broadcast_in_dim3A_847 : i32 to vector<16xi32>
          %gather3A_849 = tpu.vector_load_idx %arg11[%broadcast_in_dim3A_848, %add3A_818, %and3A_4] : memref<8x1024x2xf32, #tpu.memory_space<vmem>>[vector<16xi32>, vector<16xi32>, vector<16xi32>], vector<16xf32>,
          %mul3A_850 = arith.mulf %mul3A_830, %sub3A_828 : vector<16xf32>
          %mul3A_851 = arith.mulf %gather3A_849, %mul3A_850 : vector<16xf32>
          %add3A_852 = arith.addf %add3A_846, %mul3A_851 : vector<16xf32>
          %broadcast_in_dim3A_853 = arith.constant 3 : i32
          %broadcast_in_dim3A_854 = vector.broadcast %broadcast_in_dim3A_853 : i32 to vector<16xi32>
          %gather3A_855 = tpu.vector_load_idx %arg11[%broadcast_in_dim3A_854, %add3A_818, %and3A_4] : memref<8x1024x2xf32, #tpu.memory_space<vmem>>[vector<16xi32>, vector<16xi32>, vector<16xi32>], vector<16xf32>,
          %mul3A_856 = arith.mulf %mul3A_830, %gather3A_820 : vector<16xf32>
          %mul3A_857 = arith.mulf %gather3A_855, %mul3A_856 : vector<16xf32>
          %add3A_858 = arith.addf %add3A_852, %mul3A_857 : vector<16xf32>
          %broadcast_in_dim3A_859 = arith.constant 4 : i32
          %broadcast_in_dim3A_860 = vector.broadcast %broadcast_in_dim3A_859 : i32 to vector<16xi32>
          %gather3A_861 = tpu.vector_load_idx %arg11[%broadcast_in_dim3A_860, %add3A_818, %and3A_4] : memref<8x1024x2xf32, #tpu.memory_space<vmem>>[vector<16xi32>, vector<16xi32>, vector<16xi32>], vector<16xf32>,
          %mul3A_862 = arith.mulf %mul3A_831, %sub3A_828 : vector<16xf32>
          %mul3A_863 = arith.mulf %gather3A_861, %mul3A_862 : vector<16xf32>
          %add3A_864 = arith.addf %add3A_858, %mul3A_863 : vector<16xf32>
          %broadcast_in_dim3A_865 = arith.constant 5 : i32
          %broadcast_in_dim3A_866 = vector.broadcast %broadcast_in_dim3A_865 : i32 to vector<16xi32>
          %gather3A_867 = tpu.vector_load_idx %arg11[%broadcast_in_dim3A_866, %add3A_818, %and3A_4] : memref<8x1024x2xf32, #tpu.memory_space<vmem>>[vector<16xi32>, vector<16xi32>, vector<16xi32>], vector<16xf32>,
          %mul3A_868 = arith.mulf %mul3A_831, %gather3A_820 : vector<16xf32>
          %mul3A_869 = arith.mulf %gather3A_867, %mul3A_868 : vector<16xf32>
          %add3A_870 = arith.addf %add3A_864, %mul3A_869 : vector<16xf32>
          %broadcast_in_dim3A_871 = arith.constant 6 : i32
          %broadcast_in_dim3A_872 = vector.broadcast %broadcast_in_dim3A_871 : i32 to vector<16xi32>
          %gather3A_873 = tpu.vector_load_idx %arg11[%broadcast_in_dim3A_872, %add3A_818, %and3A_4] : memref<8x1024x2xf32, #tpu.memory_space<vmem>>[vector<16xi32>, vector<16xi32>, vector<16xi32>], vector<16xf32>,
          %mul3A_874 = arith.mulf %mul3A_832, %sub3A_828 : vector<16xf32>
          %mul3A_875 = arith.mulf %gather3A_873, %mul3A_874 : vector<16xf32>
          %add3A_876 = arith.addf %add3A_870, %mul3A_875 : vector<16xf32>
          %broadcast_in_dim3A_877 = arith.constant 7 : i32
          %broadcast_in_dim3A_878 = vector.broadcast %broadcast_in_dim3A_877 : i32 to vector<16xi32>
          %gather3A_879 = tpu.vector_load_idx %arg11[%broadcast_in_dim3A_878, %add3A_818, %and3A_4] : memref<8x1024x2xf32, #tpu.memory_space<vmem>>[vector<16xi32>, vector<16xi32>, vector<16xi32>], vector<16xf32>,
          %mul3A_880 = arith.mulf %mul3A_832, %gather3A_820 : vector<16xf32>
          %mul3A_881 = arith.mulf %gather3A_879, %mul3A_880 : vector<16xf32>
          %add3A_882 = arith.addf %add3A_876, %mul3A_881 : vector<16xf32>
          tpu.vector_store_idx %arg13[%add3A_818, %add3A_807], %add3A_882 : memref<1024x32xf32, #tpu.memory_space<vmem>>[vector<16xi32>, vector<16xi32>], vector<16xf32>,
        }
        %scan3A_813 = arith.constant 128 : i32
      }
      %scan3A_26 = arith.constant 16 : i32
      "tpu.region"() ({
        %run_scoped3A = tpu.sem_alloc : memref<!tpu.dma_semaphore, #tpu.memory_space<semaphore_mem>>
        %dma_start3A = arith.constant 0 : i32
        %dma_start3A_27 = tpu.memref_slice %arg5[%add3A_18, %dma_start3A] : memref<1048576x32xf32, #tpu.memory_space<hbm>> -> memref<1024x32xf32, #tpu.memory_space<hbm>>
        %dma_start3A_28 = arith.constant 0 : i32
        %dma_start3A_29 = tpu.memref_slice %arg5[%add3A_18, %dma_start3A_28] : memref<1048576x32xf32, #tpu.memory_space<hbm>> -> memref<1024x32xf32, #tpu.memory_space<hbm>>
        tpu.enqueue_dma source(%arg13 : memref<1024x32xf32, #tpu.memory_space<vmem>>) target(%dma_start3A_29 : memref<1024x32xf32, #tpu.memory_space<hbm>>) target_semaphore(%run_scoped3A : memref<!tpu.dma_semaphore, #tpu.memory_space<semaphore_mem>>)
        %dma_wait3A = arith.constant 0 : i32
        %dma_wait3A_30 = tpu.memref_slice %arg5[%add3A_18, %dma_wait3A] : memref<1048576x32xf32, #tpu.memory_space<hbm>> -> memref<1024x32xf32, #tpu.memory_space<hbm>>
        %dma_wait3A_31 = arith.constant 0 : i32
        %dma_wait3A_32 = tpu.memref_slice %arg5[%add3A_18, %dma_wait3A_31] : memref<1048576x32xf32, #tpu.memory_space<hbm>> -> memref<1024x32xf32, #tpu.memory_space<hbm>>
        tpu.wait_dma2 semaphore(%run_scoped3A : memref<!tpu.dma_semaphore, #tpu.memory_space<semaphore_mem>>) src(%arg13 : memref<1024x32xf32, #tpu.memory_space<vmem>>) dst(%dma_wait3A_32 : memref<1024x32xf32, #tpu.memory_space<hbm>>)
        tpu.yield
      }) : () -> ()
    }
    %scan3A_12 = arith.constant 32 : i32
    return
  }
}

</mosaic_0001>

<sc_bundles>
// kernel: kernel.3.cloned.1.call-start
scs
__scs_entry_jumppad:
0x0: {  	(pc) =	sbr.rel $0x88, $3  }
0x1: {  	(tag) =	ssettag $0x0;
	lr =	simm.s32 $0x1  }
0x2: {  	[smem:$0x3F9E] =	sst lr;
	_ =	strace $0xD0000000  }
0x3: {  	_ = 	snop  }
0x4: {  	_ = 	snop  }
0x5: {  	_ = 	snop  }
0x6: {  	_ = 	snop  }
0x7: {  	_ = 	snop  }
__scs_overlays_trampoline_lowered:
0x8: {  	[smem:$0x3FAD] =	sst s0  }
0x9: {  	[smem:$0x3FAE] =	sst s1  }
0xa: {  	[smem:$0x3FAF] =	sst s2  }
0xb: {  	[smem:$0x3FB0] =	sst s3  }
0xc: {  	[smem:$0x3FB1] =	sst s4  }
0xd: {  	[smem:$0x3FB2] =	sst s5  }
0xe: {  	[smem:$0x3FB3] =	sst s6  }
0xf: {  	[smem:$0x3FB4] =	sst s7  }
0x10: {  	[smem:$0x3FB5] =	sst s8  }
0x11: {  	[smem:$0x3FB6] =	sst s9;
	s0 =	simm.s32 @!p0 $0x0  }
0x12: {  	s1 =	sld [smem:$0x3F9C];
	s0 =	simm.s32 @p0 $0x1  }
0x13: {  	[smem:$0x3FB7] =	sst s0;
	s0 =	simm.s32 @!p1 $0x0  }
0x14: {  	s2 =	sld [smem:$0x3F9B];
	s0 =	simm.s32 @p1 $0x1  }
0x15: {  	[smem:$0x3FB8] =	sst s0;
	s0 =	simm.s32 @!p2 $0x0  }
0x16: {  	s3 =	sld [smem:$0x3FDB];
	s0 =	simm.s32 @p2 $0x1  }
0x17: {  	s4 =	simm.s32 $0x1BF5;
	[smem:$0x3FBA] =	sst s0  }
0x18: {  	s0 =	sld [smem:$0x3F9D];
	_ =	swait.ge [sflag:s4], $0x0  }
0x19: {  	s7 =	sld [smem:$0x3F9E]  }
0x1a: {  	s8 =	sadd.s32 $0xFFFFE003, lr  }
0x1b: {  	s9 =	sadd.s32 $0xFFFFFEF7, lr;
	s5 =	simm.s32 $0xFFFFFFFF;
	p2 =	slt.u32 s8, $0xFFFFF086  }
0x1c: {  	p1 =	slt.u32 s9, $0xF7A;
	s5 =	simm.s32 @!p2 $0x0  }
0x1d: {  	s5 =	simm.s32 @p1 $0x1;
	p0 =	seq.s32 s7, s2  }
0x1e: {  	s7 =	smul.u32 @!p0 $0xF7A, s2;
	p2 =	seq.s32 @!p0 s5, $0x0  }
0x1f: {  	s9 =	smul.u32 $0xF7A, s1;
	s8 =	simm.s32 @!p0 $0x1BF5;
	p2 =	por !p2, p0  }
0x20: {  	[sflag:s8] =	ssyncset.s32 @!p0 $0xFFFFF086;
	s6 =	sadd.s32 @!p0 s3, s7;
	s7 =	simm.s32 @!p0 $0x108  }
0x21: {  	s3 =	sadd.s32 s3, s9;
	s6 =	sadd.s32 @!p0 $0x88, s6;
	s7 =	simm.s32 @p2 $0x1082  }
0x22: {  	[simem:s7], [sflag:s8] =	dma.local @!p0 [hbm:s6], $0xF7A  }
0x23: {  	s9 =	sor.u32 $0xD0000000, s2;
	s6 =	simm.s32 $0x108;
	_ =	swait.ge @!p0 [sflag:s8], $0x0  }
0x24: {  	s3 =	sadd.s32 $0x88, s3;
	s6 =	simm.s32 @!p1 $0x1082;
	[sflag:s4] =	ssyncset.s32 $0xFFFFF086  }
0x25: {  	[simem:s6], [sflag:s4] =	dma.local [hbm:s3], $0xF7A  }
0x26: {  	[smem:$0x3F9E] =	sst s1;
	(tag) =	ssettag s2;
	_ =	strace s9  }
0x27: {  	s1 =	sld [smem:$0x3FAE]  }
0x28: {  	s2 =	sld [smem:$0x3FAF]  }
0x29: {  	s4 =	sld [smem:$0x3FB1]  }
0x2a: {  	p0 =	seq.s32 s5, $0x0;
	s5 =	sld [smem:$0x3FB2]  }
0x2b: {  	s6 =	sld [smem:$0x3FB3]  }
0x2c: {  	s7 =	sld [smem:$0x3FB4]  }
0x2d: {  	s3 =	simm.s32 $0x108;
	s8 =	sld [smem:$0x3FB5]  }
0x2e: {  	s3 =	simm.s32 @!p0 $0x1082;
	s9 =	sld [smem:$0x3FB6]  }
0x2f: {  	lr =	sadd.s32 s0, s3;
	s0 =	sld [smem:$0x3FAD]  }
0x30: {  	s3 =	sld [smem:$0x3FB0]  }
0x31: {  	[smem:$0x3FB9] =	sst s10  }
0x32: {  	s10 =	sld [smem:$0x3FB7];
	_ =	sdelay $0x3  }
0x33: {  	p0 =	seq.s32 s10, $0x1;
	s10 =	sld [smem:$0x3FB9];
	_ =	sdelay $0x3  }
0x34: {  	[smem:$0x3FB9] =	sst s10  }
0x35: {  	s10 =	sld [smem:$0x3FB8];
	_ =	sdelay $0x3  }
0x36: {  	p1 =	seq.s32 s10, $0x1;
	s10 =	sld [smem:$0x3FB9];
	_ =	sdelay $0x3  }
0x37: {  	[smem:$0x3FB9] =	sst s10  }
0x38: {  	s10 =	sld [smem:$0x3FBA]  }
0x39: {  	_ = 	snop;
	(pc) =	sbr.ind lr, $3  }
0x3a: {  	_ = 	snop  }
0x3b: {  	_ = 	snop  }
0x3c: {  	p2 =	seq.s32 s10, $0x1;
	s10 =	sld [smem:$0x3FB9]  }
0x3d: {  	_ =	shalt  }
0x3e: {  	_ =	shalt  }
0x3f: {  	_ =	shalt  }
0x40: {  	_ =	shalt  }
0x41: {  	_ =	shalt  }
0x42: {  	_ =	shalt  }
0x43: {  	_ =	shalt  }
0x44: {  	_ =	shalt  }
0x45: {  	_ =	shalt  }
0x46: {  	_ =	shalt  }
0x47: {  	_ =	shalt  }
0x48: {  	_ =	shalt  }
0x49: {  	_ =	shalt  }
0x4a: {  	_ =	shalt  }
0x4b: {  	_ =	shalt  }
0x4c: {  	_ =	shalt  }
0x4d: {  	_ =	shalt  }
0x4e: {  	_ =	shalt  }
0x4f: {  	_ =	shalt  }
0x50: {  	_ =	shalt  }
0x51: {  	_ =	shalt  }
0x52: {  	_ =	shalt  }
0x53: {  	_ =	shalt  }
0x54: {  	_ =	shalt  }
0x55: {  	_ =	shalt  }
0x56: {  	_ =	shalt  }
0x57: {  	_ =	shalt  }
0x58: {  	_ =	shalt  }
0x59: {  	_ =	shalt  }
0x5a: {  	_ =	shalt  }
0x5b: {  	_ =	shalt  }
0x5c: {  	_ =	shalt  }
0x5d: {  	_ =	shalt  }
0x5e: {  	_ =	shalt  }
0x5f: {  	_ =	shalt  }
0x60: {  	_ =	shalt  }
0x61: {  	_ =	shalt  }
0x62: {  	_ =	shalt  }
0x63: {  	_ =	shalt  }
0x64: {  	_ =	shalt  }
0x65: {  	_ =	shalt  }
0x66: {  	_ =	shalt  }
0x67: {  	_ =	shalt  }
0x68: {  	_ =	shalt  }
0x69: {  	_ =	shalt  }
0x6a: {  	_ =	shalt  }
0x6b: {  	_ =	shalt  }
0x6c: {  	_ =	shalt  }
0x6d: {  	_ =	shalt  }
0x6e: {  	_ =	shalt  }
0x6f: {  	_ =	shalt  }
0x70: {  	_ =	shalt  }
0x71: {  	_ =	shalt  }
0x72: {  	_ =	shalt  }
0x73: {  	_ =	shalt  }
0x74: {  	_ =	shalt  }
0x75: {  	_ =	shalt  }
0x76: {  	_ =	shalt  }
0x77: {  	_ =	shalt  }
0x78: {  	_ =	shalt  }
0x79: {  	_ =	shalt  }
0x7a: {  	_ =	shalt  }
0x7b: {  	_ =	shalt  }
0x7c: {  	_ =	shalt  }
0x7d: {  	_ =	shalt  }
0x7e: {  	_ =	shalt  }
0x7f: {  	_ =	shalt  }
0x80: {  	_ =	shalt  }
0x81: {  	_ =	shalt  }
0x82: {  	_ =	shalt  }
0x83: {  	_ =	shalt  }
0x84: {  	_ =	shalt  }
0x85: {  	_ =	shalt  }
0x86: {  	_ =	shalt  }
0x87: {  	_ =	shalt  }
.Lfunc_end0:
.L_simem_size_0:
called_computation.1_lowered:
.L_overlay_start_0:
0x88: {  	s2 =	sld [smem:$0x3FD9]  }
0x89: {  	s3 =	sld [smem:$0x3FFE];
	_ =	sdelay $0x1  }
0x8a: {  	s1 =	srdreg.scid  }
0x8b: {  	s0 =	sand.u32 $0x1, s1  }
0x8c: {  	s17 =	sshll.u32 s0, $0xA;
	s2 =	sadd.s32 s3, s2  }
0x8d: {  	s2 =	sadd.s32 s2, s17  }
0x8e: {  	[smem:$0x3FC5] =	sst s2  }
0x8f: {  	_ = 	snop  }
0x90: {  	s2 =	sld [smem:$0x3FD0];
	(tm) =	ssettm $0x1  }
0x91: {  	s18 =	sld [smem:$0x3FFB];
	_ =	sdelay $0x3  }
0x92: {  	_ =	strace s18  }
0x93: {  	s3 =	sld [smem:$0x3FFC];
	_ =	sdelay $0x3  }
0x94: {  	_ =	strace s3  }
0x95: {  	s3 =	sld [smem:$0x3FFD];
	_ =	sdelay $0x3  }
0x96: {  	_ =	strace s3  }
0x97: {  	_ =	strace $0x8FFFFFFF  }
0x98: {  	s19 =	sld [smem:$0x3FDB];
	_ =	sdelay $0x1  }
0x99: {  	s4 =	simm.s32 $_scs_section_size  }
0x9a: {  	s5 =	simm.s32 $_size__tile_overlayer_lowered;
	s6 =	simm.s32 $_tile_overlayer_lowered  }
0x9b: {  	s22 =	simm.s32 $0x1BFF;
	s21 =	sshll.u32 s6, $0x1;
	s3 =	sadd.s32 s4, s19  }
0x9c: {  	s7 =	simm.s32 $0x0;
	s20 =	sshll.u32 s5, $0x1;
	s5 =	sadd.s32 s21, s3  }
0x9d: {  	[timem:s7], [sflag:s22] =	dma.local [hbm:s5], s20  }
0x9e: {  	_ =	swait.ge [sflag:s22], s20  }
0x9f: {  	s4 =	ssub.s32 $0x0, s20;
	[sflag:s22] =	ssyncset.done $0x0  }
0xa0: {  	[sflag:s22] =	ssyncadd.s32 s4;
	_ =	sdelay $0x1  }
0xa1: {  	s23 =	simm.s32 $0x1B8B  }
0xa2: {  	_ =	swait.ge [sflag:s23], $0x1  }
0xa3: {  	[sflag:s23] =	ssyncset.done $0x0  }
0xa4: {  	s25 =	simm.s32 $0x1B8E;
	s24 =	sld [smem:$0x3FFE];
	[sflag:s23] =	ssyncadd.s32 $0xFFFFFFFF  }
0xa5: {  	s26 =	simm.s32 $execute0_lowered;
	[smem:$0x3FD2] =	sst s25  }
0xa6: {  	s5 =	sshll.u32 s26, $0x1;
	_ =	strace $0x80000046;
	[dreg:$0x1] =	wrdreg $0xFFFFFFFF  }
0xa7: {  	s28 =	simm.s32 $_size_execute0_lowered;
	s3 =	sadd.s32 s3, s5;
	[dreg:$0x0] =	wrdreg $0x0  }
0xa8: {  	s5 =	sshll.u32 s28, $0x1;
	[dreg:$0x2] =	wrdreg s3  }
0xa9: {  	[dreg:$0x3] =	wrdreg s5  }
0xaa: {  	[dreg:$0x4] =	wrdreg $0xC0  }
0xab: {  	_ =	task [dreg:s7], $0x5FFFF  }
0xac: {  	[dreg:$0x1] =	wrdreg $0xFFFFFFFF  }
0xad: {  	[dreg:$0x0] =	wrdreg $0x60  }
0xae: {  	[dreg:$0x2] =	wrdreg s24  }
0xaf: {  	[dreg:$0x3] =	wrdreg s2  }
0xb0: {  	[dreg:$0x4] =	wrdreg $0x9  }
0xb1: {  	_ =	task.clear_ibuf [dreg:s7], $0x5FFFF;
	_ =	strace $0x90000046  }
0xb2: {  	s29 =	simm.s32 $0x9;
	_ =	strace $0x80000048  }
0xb3: {  	_ =	swait.ge [sflag:s29], $0x1  }
0xb4: {  	[sflag:s29] =	ssyncadd.s32 $0xFFFFFFFF  }
0xb5: {  	_ =	strace $0x90000048  }
0xb6: {  	_ =	sfence  }
0xb7: {  	s30 =	sld [smem:$0x0];
	_ =	sdelay $0x2  }
0xb8: {  	s31 =	sshll.u32 s1, $0xD;
	s1 =	sshrl.u32 s1, $0x2  }
0xb9: {  	s3 =	sand.u32 $0x4000, s31;
	s1 =	sadd.s32 s1, s30  }
0xba: {  	s0 =	sor.u32 s3, s0;
	s1 =	sshll.u32 s1, $0x11  }
0xbb: {  	s0 =	sor.u32 s1, s0  }
0xbc: {  	s0 =	sadd.s32 $0x8F2B, s0  }
0xbd: {  	[sflag:s0] =	ssyncadd.remote.s32 $0x1  }
0xbe: {  	_ =	sfence.sel $0xFFFF  }
0xbf: {  	[dreg:$0x0] =	wrdreg $0xFFFFFFFF;
	(pc) =	sbr.abs _section_cstart, $3  }
0xc0: {  	[dreg:$0x1] =	wrdreg $0xFFFFFFFF  }
0xc1: {  	_ =	task.clear_ibuf [dreg:s7], $0x2FFFF;
	_ =	strace $0x9FFFFFFF  }
0xc2: {  	(tm) =	ssettm $0x7FFFFFFF  }
0xc3: {  	_ =	shalt  }
tec
execute0_lowered:
.L_overlay_start_1:
0x0: {  	(tag) =	ssettag $0x1  }
0x1: {  	s0 =	rddreg [dreg:$0x0]  }
0x2: {  	s2 =	simm.s32 $0x0;
	s1 =	srdreg.scid;
	s4 =	stileid.u32  }
0x3: {  	s11 =	simm.s32 $0x100;
	s13 =	simm.s32 $0x3800;
	s12 =	simm.s32 $0x11000  }
0x4: {  	s14 =	simm.s32 $0x3400;
	s15 =	simm.s32 $0x11800;
	s16 =	simm.s32 $0x3500  }
0x5: {  	s17 =	simm.s32 $0x12000;
	s18 =	simm.s32 $0x3600;
	s19 =	simm.s32 $0x12800  }
0x6: {  	s20 =	simm.s32 $0x3700;
	s21 =	simm.s32 $0x13000;
	s22 =	simm.s32 $0x1  }
0x7: {  	v1 =	vimm.s32 $0x52741630;
	s23 =	simm.s32 $0xC00;
	s24 =	simm.s32 $0x1000;
	s25 =	simm.s32 $0x1400  }
0x8: {  	v7 =	vlaneseq.u32;
	v2 =	vimm.s32 $0x63052741;
	v4 =	vimm.s32 $0x74163052;
	s26 =	simm.s32 $0x13900;
	[smem:$0x7FF] =	sst s2;
	s1 =	sand.u32 $0x1, s1  }
0x9: {  	s3 =	sadd.s32 $0x1800C00, s0;
	s5 =	sadd.s32 $0xC00, s0;
	s0 =	sadd.s32 $0x800C00, s0;
	v0 =	vmul.u32 $0x3, v7;
	v1 =	vunpack.c.l.s4.s8 v1;
	v3 =	vunpack.c.l.s4.s8 v2  }
0xa: {  	s31 =	sshll.u32 s4, $0x10;
	v6 =	vunpack.c.l.s4.s8 v4;
	v5 =	vand.u32 $0x1, v7;
	v7 =	vshrl.u32 v7, $0x1;
	_ =	strace $0x80000047;
	s29 =	ssub.s32 $0x2, s1  }
0xb: {  	[dreg:$0x3] =	wrdreg s3;
	s1 =	sshll.u32 s1, $0xF;
	v8 =	vor.u32 $0x2000, v5;
	v9 =	vor.u32 $0x4000, v5;
	v10 =	vor.u32 $0x6000, v5;
	s30 =	sshrl.u32 s29, $0x1  }
0xc: {  	[dreg:$0x4] =	wrdreg s0;
	v11 =	vor.u32 $0x8000, v5;
	v12 =	vor.u32 $0xA000, v5;
	v13 =	vor.u32 $0xC000, v5;
	s1 =	sor.u32 s1, s31;
	s0 =	ssub.s32 s29, s30  }
0xd: {  	s28 =	simm.s32 $0x0;
	v14 =	vor.u32 $0xE000, v5;
	v1 =	vunpack.c.0.s8.s32 v1;
	v2 =	vadd.s32 $0x1, v0;
	[dreg:$0x5] =	wrdreg s1;
	s0 =	smax.u32 s0, $0x1  }
0xe: {  	s3 =	simm.s32 $0x2;
	v3 =	vunpack.c.0.s8.s32 v3;
	v4 =	vadd.s32 $0x2, v0;
	v6 =	vunpack.c.0.s8.s32 v6;
	s1 =	simm.s32 $0x0;
	[dreg:$0x6] =	wrdreg s0  }
.LBB2_1:
0xf: {  	[dreg:$0x7] =	wrdreg s1  }
0x10: {  	s0 =	rddreg [dreg:$0x4];
	s31 =	simm.s32 $0x13800  }
0x11: {  	[tilespmem:s31], [sflag:$0x2] =	stream.linear.gather [hbm4b:s0+s2], $0x100, $0x38;
	[tilespmem:$0x1B900] =	vst v63  }
0x12: {  	_ =	swait.ge [sflag:s3], $0x100  }
0x13: {  	[sflag:s3] =	ssyncset.done $0x0  }
0x14: {  	s0 =	simm.s32 $0x0;
	[sflag:s3] =	ssyncadd.s32 $0xFFFFFF00  }
.LBB2_2:
0x15: {  	s30 =	sshll.u32 s0, $0xA;
	s1 =	rddreg [dreg:$0x5]  }
0x16: {  	[dreg:$0x8] =	wrdreg s0;
	s0 =	sadd.s32 s1, s30  }
0x17: {  	[dreg:$0x9] =	wrdreg s0;
	s0 =	smul.u32 $0x3, s0  }
0x18: {  	_ = 	snop  }
0x19: {  	s31 =	rddreg [dreg:$0x3];
	s0 =	sshrl.u32 s0, $0x3  }
0x1a: {  	s0 =	sadd.s32 s31, s0  }
0x1b: {  	[tilespmem:s28], [sflag:$0x2] =	stream.linear.gather [hbm4b:s0+s28], $0xC00, $0x38;
	[tilespmem:$0x1B900] =	vst v63  }
0x1c: {  	_ =	swait.ge [sflag:s3], $0xC00  }
0x1d: {  	[sflag:s3] =	ssyncset.done $0x0  }
0x1e: {  	s29 =	simm.s32 $0x0;
	[sflag:s3] =	ssyncadd.s32 $0xFFFFF400  }
.LBB2_3:
0x1f: {  	v15 =	vadd.s32 s28, v4  }
0x20: {  	v16 =	vadd.s32 s28, v2;
	v15 =	vand.u32 $0x1FF8, v15  }
0x21: {  	v17 =	vadd.s32 s28, v0;
	v16 =	vand.u32 $0x1FF8, v16;
	v15 =	vor.u32 v6, v15  }
0x22: {  	v17 =	vand.u32 $0x1FF8, v17;
	v18 =	vor.u32 v3, v16  }
0x23: {  	s0 =	sshll.u32 s29, $0x4;
	v17 =	vor.u32 v1, v17  }
0x24: {  	s0 =	sand.u32 $0x3FFFFFF0, s0  }
0x25: {  	v16 =	vld [tilespmem:s0+$0x13800]  }
0x26: {  	v19 =	vld.idx.msk [tilespmem:v15+s2+$0x0], $0xffff  }
0x27: {  	v18 =	vld.idx.msk [tilespmem:v18+s2+$0x0], $0xffff  }
0x28: {  	v17 =	vld.idx.msk [tilespmem:v17+s2+$0x0], $0xffff;
	_ =	sdelay $0x1  }
0x29: {  	s8 =	simm.s32 $0x30  }
0x2a: {  	v20 =	vadd.s32 s8, v4  }
0x2b: {  	s7 =	sshll.u32 s29, $0x13;
	v20 =	vand.u32 $0x1FF8, v20;
	v19 =	vmul.f32 v19, v16  }
0x2c: {  	v15 =	vmov s7;
	v21 =	vmul.f32 v18, v16;
	v22 =	vmul.f32 v17, v16  }
0x2d: {  	v18 =	vadd.s32 s8, v0;
	v17 =	vadd.s32 s8, v2;
	v23 =	vtrunc.f32 v19  }
0x2e: {  	v18 =	vand.u32 $0x1FF8, v18;
	v24 =	vtrunc.f32 v21;
	v25 =	vtrunc.f32 v22  }
0x2f: {  	v26 =	vand.u32 $0x1FF8, v17;
	v23 =	vcvt.f32.s32 v23;
	v24 =	vcvt.f32.s32 v24  }
0x30: {  	v17 =	vor.u32 v1, v18;
	v18 =	vor.u32 v3, v26;
	v25 =	vcvt.f32.s32 v25  }
0x31: {  	v58 =	vcvt.s32.f32 v23;
	v27 =	vcvt.s32.f32 v24;
	v24 =	vmul.u32 $0x9E3779B1, v24  }
0x32: {  	v28 =	vcvt.s32.f32 v25;
	v23 =	vmul.u32 $0x30025795, v23;
	v59 =	vadd.s32 $0x1, v25  }
0x33: {  	v19 =	vsub.f32 v19, v58;
	v21 =	vsub.f32 v21, v27;
	v60 =	vadd.s32 $0x9E3779B1, v24  }
0x34: {  	v22 =	vsub.f32 v22, v28;
	v61 =	vxor.u32 v59, v24;
	v29 =	vadd.s32 $0x30025795, v23  }
0x35: {  	s9 =	simm.s32 $0xC00;
	v24 =	vxor.u32 v25, v24;
	v26 =	vxor.u32 v59, v60;
	v30 =	vxor.u32 v23, v61  }
0x36: {  	s1 =	simm.s32 $0x1000;
	v63 =	vxor.u32 v25, v60;
	v31 =	vxor.u32 v23, v26;
	[tilespmem:s9+$0x0] =	vst v22;
	v22 =	vxor.u32 v61, v29  }
0x37: {  	s10 =	simm.s32 $0x1400;
	v26 =	vxor.u32 v29, v26;
	v27 =	vxor.u32 v23, v63;
	[tilespmem:s1+$0x0] =	vst v21;
	v21 =	vand.u32 $0x7FFFF, v22  }
0x38: {  	s31 =	simm.s32 $0x2800;
	v62 =	vand.u32 $0x7FFFF, v31;
	v22 =	vand.u32 $0x7FFFF, v26;
	[tilespmem:s10+$0x0] =	vst v19;
	v19 =	vor.u32 v15, v21  }
0x39: {  	v26 =	vxor.u32 v29, v63;
	v21 =	vand.u32 $0x7FFFF, v30;
	[tilespmem:s31+$0x400] =	vst v19;
	v19 =	vor.u32 v15, v62  }
0x3a: {  	v21 =	vor.u32 v15, v21;
	[tilespmem:s31+$0x800] =	vst v19;
	v19 =	vor.u32 v15, v22;
	v22 =	vxor.u32 v23, v24  }
0x3b: {  	v23 =	vand.u32 $0x7FFFF, v26;
	[tilespmem:s31+$0xC00] =	vst v19;
	v19 =	vxor.u32 v24, v29;
	v22 =	vand.u32 $0x7FFFF, v22  }
0x3c: {  	s30 =	simm.s32 $0x2810;
	s6 =	simm.s32 $0xC10;
	s4 =	simm.s32 $0x60;
	[tilespmem:s31+$0x0] =	vst v21;
	v23 =	vor.u32 v15, v23;
	v24 =	vand.u32 $0x7FFFF, v19;
	v19 =	vor.u32 v6, v20  }
0x3d: {  	s3 =	simm.s32 $0x1010;
	s0 =	simm.s32 $0x1410;
	s7 =	simm.s32 $0x2820;
	v21 =	vand.u32 $0x7FFFF, v27;
	v22 =	vor.u32 v15, v22;
	[tilespmem:s31+$0xFFFFFC00] =	vst v23  }
0x3e: {  	s8 =	simm.s32 $0x1010;
	s9 =	simm.s32 $0xC10;
	s1 =	simm.s32 $0x1410;
	v21 =	vor.u32 v15, v21;
	v20 =	vor.u32 v15, v24;
	[tilespmem:s31+$0xFFFFF000] =	vst v22  }
.LBB2_4:
0x3f: {  	s6 =	sadd.s32 $0x10, s6;
	s8 =	sadd.s32 $0x10, s8;
	s1 =	sadd.s32 $0x10, s1;
	[tilespmem:s31+$0xFFFFF800] =	vst v21  }
0x40: {  	v21 =	vadd.s32 s4, v4;
	p0 =	sne.s32 s4, $0xBD0;
	s10 =	smov.u32 s4;
	s4 =	sadd.s32 $0x30, s4;
	[tilespmem:s31+$0xFFFFF400] =	vst v20  }
0x41: {  	v20 =	vand.u32 $0x1FF8, v21;
	s31 =	smov.u32 s30;
	s30 =	smov.u32 s7;
	v21 =	vld.idx.msk [tilespmem:v19+s2+$0x0], $0xffff  }
0x42: {  	v22 =	vadd.s32 s10, v2;
	v19 =	vadd.s32 s10, v0;
	v23 =	vld.idx.msk [tilespmem:v18+s2+$0x0], $0xffff  }
0x43: {  	v18 =	vand.u32 $0x1FF8, v19;
	v19 =	vand.u32 $0x1FF8, v22;
	v22 =	vld.idx.msk [tilespmem:v17+s2+$0x0], $0xffff  }
0x44: {  	v17 =	vor.u32 v1, v18;
	v18 =	vor.u32 v3, v19  }
0x45: {  	v19 =	vor.u32 v6, v20;
	_ =	sdelay $0x1  }
0x46: {  	v20 =	vmul.f32 v21, v16  }
0x47: {  	v21 =	vmul.f32 v23, v16  }
0x48: {  	v22 =	vmul.f32 v22, v16;
	v23 =	vtrunc.f32 v20  }
0x49: {  	v24 =	vtrunc.f32 v21;
	v23 =	vcvt.f32.s32 v23  }
0x4a: {  	v25 =	vtrunc.f32 v22;
	v24 =	vcvt.f32.s32 v24  }
0x4b: {  	v25 =	vcvt.f32.s32 v25;
	v26 =	vcvt.s32.f32 v23  }
0x4c: {  	v23 =	vmul.u32 $0x30025795, v23;
	v27 =	vcvt.s32.f32 v24;
	v24 =	vmul.u32 $0x9E3779B1, v24  }
0x4d: {  	v28 =	vcvt.s32.f32 v25;
	v20 =	vsub.f32 v20, v26;
	v26 =	vadd.s32 $0x1, v25  }
0x4e: {  	v21 =	vsub.f32 v21, v27;
	v27 =	vadd.s32 $0x9E3779B1, v24;
	v29 =	vxor.u32 v26, v24  }
0x4f: {  	v22 =	vsub.f32 v22, v28;
	v28 =	vadd.s32 $0x30025795, v23;
	v26 =	vxor.u32 v26, v27  }
0x50: {  	v30 =	vxor.u32 v23, v29;
	v31 =	vxor.u32 v23, v26;
	v26 =	vxor.u32 v28, v26  }
0x51: {  	v26 =	vand.u32 $0x7FFFF, v26;
	[tilespmem:s9+$0x0] =	vst v22;
	v22 =	vxor.u32 v29, v28;
	v29 =	vand.u32 $0x7FFFF, v31;
	s9 =	smov.u32 s6  }
0x52: {  	[tilespmem:s3+$0x0] =	vst v21;
	v21 =	vxor.u32 v25, v27;
	v27 =	vand.u32 $0x7FFFF, v30;
	v22 =	vand.u32 $0x7FFFF, v22;
	s3 =	smov.u32 s8  }
0x53: {  	[tilespmem:s0+$0x0] =	vst v20;
	v20 =	vxor.u32 v23, v21;
	v21 =	vxor.u32 v28, v21;
	v22 =	vor.u32 v15, v22;
	s0 =	smov.u32 s1  }
0x54: {  	v30 =	vand.u32 $0x7FFFF, v20;
	v20 =	vor.u32 v15, v27;
	[tilespmem:s31+$0x400] =	vst v22;
	v22 =	vor.u32 v15, v29  }
.Ltmp0:
0x55: {  	v24 =	vxor.u32 v25, v24;
	[tilespmem:s31+$0x800] =	vst v22;
	v22 =	vor.u32 v15, v26;
	(pc) =	sbr.rel @p0 .LBB2_4-.Ltmp0, $4  }
0x56: {  	v23 =	vxor.u32 v23, v24;
	v24 =	vxor.u32 v24, v28;
	v21 =	vand.u32 $0x7FFFF, v21;
	[tilespmem:s31+$0xC00] =	vst v22  }
0x57: {  	v22 =	vand.u32 $0x7FFFF, v23;
	v23 =	vand.u32 $0x7FFFF, v24;
	v24 =	vor.u32 v15, v21;
	[tilespmem:s31+$0x0] =	vst v20  }
0x58: {  	v21 =	vor.u32 v15, v30;
	v22 =	vor.u32 v15, v22;
	v20 =	vor.u32 v15, v23;
	[tilespmem:s31+$0xFFFFFC00] =	vst v24  }
0x59: {  	s7 =	sadd.s32 $0x10, s7;
	[tilespmem:s31+$0xFFFFF000] =	vst v22  }
0x5a: {  	_ =	sdelay $0x1  }
0x5b: {  	[tilespmem:s31+$0xFFFFF800] =	vst v21  }
0x5c: {  	[tilespmem:s31+$0xFFFFF400] =	vst v20  }
0x5d: {  	v19 =	vld.idx.msk [tilespmem:v19+s2+$0x0], $0xffff  }
0x5e: {  	v18 =	vld.idx.msk [tilespmem:v18+s2+$0x0], $0xffff  }
0x5f: {  	v17 =	vld.idx.msk [tilespmem:v17+s2+$0x0], $0xffff;
	_ =	sdelay $0x3  }
0x60: {  	v19 =	vmul.f32 v19, v16;
	v18 =	vmul.f32 v18, v16  }
0x61: {  	v16 =	vmul.f32 v17, v16  }
0x62: {  	v17 =	vtrunc.f32 v19;
	v20 =	vtrunc.f32 v18  }
0x63: {  	v42 =	vtrunc.f32 v16;
	v17 =	vcvt.f32.s32 v17  }
0x64: {  	v20 =	vcvt.f32.s32 v20;
	v21 =	vcvt.f32.s32 v42  }
0x65: {  	v22 =	vcvt.s32.f32 v17  }
0x66: {  	v23 =	vcvt.s32.f32 v20;
	v24 =	vcvt.s32.f32 v21  }
0x67: {  	v20 =	vmul.u32 $0x9E3779B1, v20;
	v17 =	vmul.u32 $0x30025795, v17;
	v19 =	vsub.f32 v19, v22  }
0x68: {  	v43 =	vadd.s32 $0x1, v21;
	v18 =	vsub.f32 v18, v23;
	v16 =	vsub.f32 v16, v24  }
0x69: {  	v44 =	vadd.s32 $0x9E3779B1, v20;
	v45 =	vxor.u32 v43, v20;
	v25 =	vadd.s32 $0x30025795, v17  }
0x6a: {  	v20 =	vxor.u32 v21, v20;
	v24 =	vxor.u32 v45, v25;
	[tilespmem:s9+$0x0] =	vst v16;
	v16 =	vxor.u32 v43, v44  }
0x6b: {  	v46 =	vxor.u32 v17, v45;
	v24 =	vand.u32 $0x7FFFF, v24;
	[tilespmem:s3+$0x0] =	vst v18;
	v18 =	vxor.u32 v17, v16  }
0x6c: {  	v16 =	vxor.u32 v25, v16;
	[tilespmem:s0+$0x0] =	vst v19;
	v18 =	vand.u32 $0x7FFFF, v18;
	v19 =	vor.u32 v15, v24  }
0x6d: {  	v23 =	vxor.u32 v21, v44;
	v16 =	vand.u32 $0x7FFFF, v16;
	[tilespmem:s30+$0x400] =	vst v19;
	v18 =	vor.u32 v15, v18  }
0x6e: {  	v22 =	vand.u32 $0x7FFFF, v46;
	v19 =	vxor.u32 v25, v23;
	v16 =	vor.u32 v15, v16;
	[tilespmem:s30+$0x800] =	vst v18  }
0x6f: {  	v21 =	vxor.u32 v17, v20;
	v18 =	vor.u32 v15, v22;
	v19 =	vand.u32 $0x7FFFF, v19;
	[tilespmem:s30+$0xC00] =	vst v16  }
0x70: {  	v16 =	vxor.u32 v17, v23;
	v17 =	vand.u32 $0x7FFFF, v21;
	v19 =	vor.u32 v15, v19;
	[tilespmem:s30+$0x0] =	vst v18  }
0x71: {  	v16 =	vand.u32 $0x7FFFF, v16;
	v18 =	vxor.u32 v20, v25;
	v17 =	vor.u32 v15, v17;
	[tilespmem:s30+$0xFFFFFC00] =	vst v19  }
0x72: {  	v18 =	vand.u32 $0x7FFFF, v18;
	v16 =	vor.u32 v15, v16;
	[tilespmem:s30+$0xFFFFF000] =	vst v17  }
0x73: {  	v15 =	vor.u32 v15, v18;
	[tilespmem:s30+$0xFFFFF800] =	vst v16  }
0x74: {  	s7 =	simm.s32 $0x1800;
	[tilespmem:s30+$0xFFFFF400] =	vst v15  }
0x75: {  	[tilespmem:s13], [sflag:$0x1] =	stream.indirect.gather [hbm4b:s5+s11], $0x2, s7, s11, $0xb8;
	[tilespmem:$0x1B900] =	vst v63  }
0x76: {  	s8 =	simm.s32 $0x1900;
	s1 =	simm.s32 $0x4000  }
0x77: {  	[tilespmem:s1], [sflag:$0x1] =	stream.indirect.gather [hbm4b:s5+s11], $0x2, s8, s11, $0xb8;
	[tilespmem:$0x1B900] =	vst v63  }
0x78: {  	s10 =	simm.s32 $0x4800;
	s9 =	simm.s32 $0x1A00  }
0x79: {  	[tilespmem:s10], [sflag:$0x1] =	stream.indirect.gather [hbm4b:s5+s11], $0x2, s9, s11, $0xb8;
	[tilespmem:$0x1B900] =	vst v63  }
0x7a: {  	s31 =	simm.s32 $0x5000;
	s30 =	simm.s32 $0x1B00  }
0x7b: {  	[tilespmem:s31], [sflag:$0x1] =	stream.indirect.gather [hbm4b:s5+s11], $0x2, s30, s11, $0xb8;
	[tilespmem:$0x1B900] =	vst v63  }
0x7c: {  	s3 =	simm.s32 $0x5800;
	s1 =	simm.s32 $0x1C00  }
0x7d: {  	[tilespmem:s3], [sflag:$0x1] =	stream.indirect.gather [hbm4b:s5+s11], $0x2, s1, s11, $0xb8;
	[tilespmem:$0x1B900] =	vst v63  }
0x7e: {  	s4 =	simm.s32 $0x1D00;
	s6 =	simm.s32 $0x6000  }
0x7f: {  	[tilespmem:s6], [sflag:$0x1] =	stream.indirect.gather [hbm4b:s5+s11], $0x2, s4, s11, $0xb8;
	[tilespmem:$0x1B900] =	vst v63  }
0x80: {  	s7 =	simm.s32 $0x1E00;
	s8 =	simm.s32 $0x6800  }
0x81: {  	[tilespmem:s8], [sflag:$0x1] =	stream.indirect.gather [hbm4b:s5+s11], $0x2, s7, s11, $0xb8;
	[tilespmem:$0x1B900] =	vst v63  }
0x82: {  	s9 =	simm.s32 $0x1F00;
	s10 =	simm.s32 $0x7000  }
0x83: {  	[tilespmem:s10], [sflag:$0x1] =	stream.indirect.gather [hbm4b:s5+s11], $0x2, s9, s11, $0xb8;
	[tilespmem:$0x1B900] =	vst v63  }
0x84: {  	s30 =	simm.s32 $0x2000;
	s31 =	simm.s32 $0x7800  }
0x85: {  	[tilespmem:s31], [sflag:$0x1] =	stream.indirect.gather [hbm4b:s5+s11], $0x2, s30, s11, $0xb8;
	[tilespmem:$0x1B900] =	vst v63  }
0x86: {  	s1 =	simm.s32 $0x2100;
	s3 =	simm.s32 $0x8000  }
0x87: {  	[tilespmem:s3], [sflag:$0x1] =	stream.indirect.gather [hbm4b:s5+s11], $0x2, s1, s11, $0xb8;
	[tilespmem:$0x1B900] =	vst v63  }
0x88: {  	s4 =	simm.s32 $0x2200;
	s6 =	simm.s32 $0x8800  }
0x89: {  	[tilespmem:s6], [sflag:$0x1] =	stream.indirect.gather [hbm4b:s5+s11], $0x2, s4, s11, $0xb8;
	[tilespmem:$0x1B900] =	vst v63  }
0x8a: {  	s7 =	simm.s32 $0x2300;
	s8 =	simm.s32 $0x9000  }
0x8b: {  	[tilespmem:s8], [sflag:$0x1] =	stream.indirect.gather [hbm4b:s5+s11], $0x2, s7, s11, $0xb8;
	[tilespmem:$0x1B900] =	vst v63  }
0x8c: {  	s9 =	simm.s32 $0x2400;
	s10 =	simm.s32 $0x9800  }
0x8d: {  	[tilespmem:s10], [sflag:$0x1] =	stream.indirect.gather [hbm4b:s5+s11], $0x2, s9, s11, $0xb8;
	[tilespmem:$0x1B900] =	vst v63  }
0x8e: {  	s30 =	simm.s32 $0x2500;
	s31 =	simm.s32 $0xA000  }
0x8f: {  	[tilespmem:s31], [sflag:$0x1] =	stream.indirect.gather [hbm4b:s5+s11], $0x2, s30, s11, $0xb8;
	[tilespmem:$0x1B900] =	vst v63  }
0x90: {  	s1 =	simm.s32 $0x2600;
	s3 =	simm.s32 $0xA800  }
0x91: {  	[tilespmem:s3], [sflag:$0x1] =	stream.indirect.gather [hbm4b:s5+s11], $0x2, s1, s11, $0xb8;
	[tilespmem:$0x1B900] =	vst v63  }
0x92: {  	s4 =	simm.s32 $0x2700;
	s6 =	simm.s32 $0xB000  }
0x93: {  	[tilespmem:s6], [sflag:$0x1] =	stream.indirect.gather [hbm4b:s5+s11], $0x2, s4, s11, $0xb8;
	[tilespmem:$0x1B900] =	vst v63  }
0x94: {  	s7 =	simm.s32 $0x2800;
	s8 =	simm.s32 $0xB800  }
0x95: {  	[tilespmem:s8], [sflag:$0x1] =	stream.indirect.gather [hbm4b:s5+s11], $0x2, s7, s11, $0xb8;
	[tilespmem:$0x1B900] =	vst v63  }
0x96: {  	s9 =	simm.s32 $0x2900;
	s10 =	simm.s32 $0xC000  }
0x97: {  	[tilespmem:s10], [sflag:$0x1] =	stream.indirect.gather [hbm4b:s5+s11], $0x2, s9, s11, $0xb8;
	[tilespmem:$0x1B900] =	vst v63  }
0x98: {  	s30 =	simm.s32 $0x2A00;
	s31 =	simm.s32 $0xC800  }
0x99: {  	[tilespmem:s31], [sflag:$0x1] =	stream.indirect.gather [hbm4b:s5+s11], $0x2, s30, s11, $0xb8;
	[tilespmem:$0x1B900] =	vst v63  }
0x9a: {  	s1 =	simm.s32 $0x2B00;
	s3 =	simm.s32 $0xD000  }
0x9b: {  	[tilespmem:s3], [sflag:$0x1] =	stream.indirect.gather [hbm4b:s5+s11], $0x2, s1, s11, $0xb8;
	[tilespmem:$0x1B900] =	vst v63  }
0x9c: {  	s4 =	simm.s32 $0x2C00;
	s6 =	simm.s32 $0xD800  }
0x9d: {  	[tilespmem:s6], [sflag:$0x1] =	stream.indirect.gather [hbm4b:s5+s11], $0x2, s4, s11, $0xb8;
	[tilespmem:$0x1B900] =	vst v63  }
0x9e: {  	s7 =	simm.s32 $0x2D00;
	s8 =	simm.s32 $0xE000  }
0x9f: {  	[tilespmem:s8], [sflag:$0x1] =	stream.indirect.gather [hbm4b:s5+s11], $0x2, s7, s11, $0xb8;
	[tilespmem:$0x1B900] =	vst v63  }
0xa0: {  	s9 =	simm.s32 $0x2E00;
	s10 =	simm.s32 $0xE800  }
0xa1: {  	[tilespmem:s10], [sflag:$0x1] =	stream.indirect.gather [hbm4b:s5+s11], $0x2, s9, s11, $0xb8;
	[tilespmem:$0x1B900] =	vst v63  }
0xa2: {  	s30 =	simm.s32 $0x2F00;
	s31 =	simm.s32 $0xF000  }
0xa3: {  	[tilespmem:s31], [sflag:$0x1] =	stream.indirect.gather [hbm4b:s5+s11], $0x2, s30, s11, $0xb8;
	[tilespmem:$0x1B900] =	vst v63  }
0xa4: {  	s1 =	simm.s32 $0x3000;
	s3 =	simm.s32 $0xF800  }
0xa5: {  	[tilespmem:s3], [sflag:$0x1] =	stream.indirect.gather [hbm4b:s5+s11], $0x2, s1, s11, $0xb8;
	[tilespmem:$0x1B900] =	vst v63  }
0xa6: {  	s4 =	simm.s32 $0x3100;
	s6 =	simm.s32 $0x10000  }
0xa7: {  	[tilespmem:s6], [sflag:$0x1] =	stream.indirect.gather [hbm4b:s5+s11], $0x2, s4, s11, $0xb8;
	[tilespmem:$0x1B900] =	vst v63  }
0xa8: {  	s7 =	simm.s32 $0x3200;
	s8 =	simm.s32 $0x10800  }
0xa9: {  	[tilespmem:s8], [sflag:$0x1] =	stream.indirect.gather [hbm4b:s5+s11], $0x2, s7, s11, $0xb8;
	[tilespmem:$0x1B900] =	vst v63  }
0xaa: {  	s9 =	simm.s32 $0x3300  }
0xab: {  	[tilespmem:s12], [sflag:$0x1] =	stream.indirect.gather [hbm4b:s5+s11], $0x2, s9, s11, $0xb8;
	[tilespmem:$0x1B900] =	vst v63  }
0xac: {  	_ = 	snop  }
0xad: {  	[tilespmem:s15], [sflag:$0x1] =	stream.indirect.gather [hbm4b:s5+s11], $0x2, s14, s11, $0xb8;
	[tilespmem:$0x1B900] =	vst v63  }
0xae: {  	_ = 	snop  }
0xaf: {  	[tilespmem:s17], [sflag:$0x1] =	stream.indirect.gather [hbm4b:s5+s11], $0x2, s16, s11, $0xb8;
	[tilespmem:$0x1B900] =	vst v63  }
0xb0: {  	_ = 	snop  }
0xb1: {  	[tilespmem:s19], [sflag:$0x1] =	stream.indirect.gather [hbm4b:s5+s11], $0x2, s18, s11, $0xb8;
	[tilespmem:$0x1B900] =	vst v63  }
0xb2: {  	_ = 	snop  }
0xb3: {  	[tilespmem:s21], [sflag:$0x1] =	stream.indirect.gather [hbm4b:s5+s11], $0x2, s20, s11, $0xb8;
	[tilespmem:$0x1B900] =	vst v63  }
0xb4: {  	_ =	swait.ge [sflag:s22], $0x200  }
0xb5: {  	[sflag:s22] =	ssyncset.done $0x0  }
0xb6: {  	[sflag:s22] =	ssyncadd.s32 $0xFFFFFE00  }
0xb7: {  	_ =	swait.ge [sflag:s22], $0x200  }
0xb8: {  	[sflag:s22] =	ssyncset.done $0x0  }
0xb9: {  	[sflag:s22] =	ssyncadd.s32 $0xFFFFFE00  }
0xba: {  	_ =	swait.ge [sflag:s22], $0x200  }
0xbb: {  	[sflag:s22] =	ssyncset.done $0x0  }
0xbc: {  	[sflag:s22] =	ssyncadd.s32 $0xFFFFFE00  }
0xbd: {  	_ =	swait.ge [sflag:s22], $0x200  }
0xbe: {  	[sflag:s22] =	ssyncset.done $0x0  }
0xbf: {  	[sflag:s22] =	ssyncadd.s32 $0xFFFFFE00  }
0xc0: {  	_ =	swait.ge [sflag:s22], $0x200  }
0xc1: {  	[sflag:s22] =	ssyncset.done $0x0  }
0xc2: {  	[sflag:s22] =	ssyncadd.s32 $0xFFFFFE00  }
0xc3: {  	_ =	swait.ge [sflag:s22], $0x200  }
0xc4: {  	[sflag:s22] =	ssyncset.done $0x0  }
0xc5: {  	[sflag:s22] =	ssyncadd.s32 $0xFFFFFE00  }
0xc6: {  	_ =	swait.ge [sflag:s22], $0x200  }
0xc7: {  	[sflag:s22] =	ssyncset.done $0x0  }
0xc8: {  	[sflag:s22] =	ssyncadd.s32 $0xFFFFFE00  }
0xc9: {  	_ =	swait.ge [sflag:s22], $0x200  }
0xca: {  	[sflag:s22] =	ssyncset.done $0x0  }
0xcb: {  	[sflag:s22] =	ssyncadd.s32 $0xFFFFFE00  }
0xcc: {  	_ =	swait.ge [sflag:s22], $0x200  }
0xcd: {  	[sflag:s22] =	ssyncset.done $0x0  }
0xce: {  	[sflag:s22] =	ssyncadd.s32 $0xFFFFFE00  }
0xcf: {  	_ =	swait.ge [sflag:s22], $0x200  }
0xd0: {  	[sflag:s22] =	ssyncset.done $0x0  }
0xd1: {  	[sflag:s22] =	ssyncadd.s32 $0xFFFFFE00  }
0xd2: {  	_ =	swait.ge [sflag:s22], $0x200  }
0xd3: {  	[sflag:s22] =	ssyncset.done $0x0  }
0xd4: {  	[sflag:s22] =	ssyncadd.s32 $0xFFFFFE00  }
0xd5: {  	_ =	swait.ge [sflag:s22], $0x200  }
0xd6: {  	[sflag:s22] =	ssyncset.done $0x0  }
0xd7: {  	[sflag:s22] =	ssyncadd.s32 $0xFFFFFE00  }
0xd8: {  	_ =	swait.ge [sflag:s22], $0x200  }
0xd9: {  	[sflag:s22] =	ssyncset.done $0x0  }
0xda: {  	[sflag:s22] =	ssyncadd.s32 $0xFFFFFE00  }
0xdb: {  	_ =	swait.ge [sflag:s22], $0x200  }
0xdc: {  	[sflag:s22] =	ssyncset.done $0x0  }
0xdd: {  	[sflag:s22] =	ssyncadd.s32 $0xFFFFFE00  }
0xde: {  	_ =	swait.ge [sflag:s22], $0x200  }
0xdf: {  	[sflag:s22] =	ssyncset.done $0x0  }
0xe0: {  	[sflag:s22] =	ssyncadd.s32 $0xFFFFFE00  }
0xe1: {  	_ =	swait.ge [sflag:s22], $0x200  }
0xe2: {  	[sflag:s22] =	ssyncset.done $0x0  }
0xe3: {  	[sflag:s22] =	ssyncadd.s32 $0xFFFFFE00  }
0xe4: {  	_ =	swait.ge [sflag:s22], $0x200  }
0xe5: {  	[sflag:s22] =	ssyncset.done $0x0  }
0xe6: {  	[sflag:s22] =	ssyncadd.s32 $0xFFFFFE00  }
0xe7: {  	_ =	swait.ge [sflag:s22], $0x200  }
0xe8: {  	[sflag:s22] =	ssyncset.done $0x0  }
0xe9: {  	[sflag:s22] =	ssyncadd.s32 $0xFFFFFE00  }
0xea: {  	_ =	swait.ge [sflag:s22], $0x200  }
0xeb: {  	[sflag:s22] =	ssyncset.done $0x0  }
0xec: {  	[sflag:s22] =	ssyncadd.s32 $0xFFFFFE00  }
0xed: {  	_ =	swait.ge [sflag:s22], $0x200  }
0xee: {  	[sflag:s22] =	ssyncset.done $0x0  }
0xef: {  	[sflag:s22] =	ssyncadd.s32 $0xFFFFFE00  }
0xf0: {  	_ =	swait.ge [sflag:s22], $0x200  }
0xf1: {  	[sflag:s22] =	ssyncset.done $0x0  }
0xf2: {  	[sflag:s22] =	ssyncadd.s32 $0xFFFFFE00  }
0xf3: {  	_ =	swait.ge [sflag:s22], $0x200  }
0xf4: {  	[sflag:s22] =	ssyncset.done $0x0  }
0xf5: {  	[sflag:s22] =	ssyncadd.s32 $0xFFFFFE00  }
0xf6: {  	_ =	swait.ge [sflag:s22], $0x200  }
0xf7: {  	[sflag:s22] =	ssyncset.done $0x0  }
0xf8: {  	[sflag:s22] =	ssyncadd.s32 $0xFFFFFE00  }
0xf9: {  	_ =	swait.ge [sflag:s22], $0x200  }
0xfa: {  	[sflag:s22] =	ssyncset.done $0x0  }
0xfb: {  	[sflag:s22] =	ssyncadd.s32 $0xFFFFFE00  }
0xfc: {  	_ =	swait.ge [sflag:s22], $0x200  }
0xfd: {  	[sflag:s22] =	ssyncset.done $0x0  }
0xfe: {  	[sflag:s22] =	ssyncadd.s32 $0xFFFFFE00  }
0xff: {  	_ =	swait.ge [sflag:s22], $0x200  }
0x100: {  	[sflag:s22] =	ssyncset.done $0x0  }
0x101: {  	[sflag:s22] =	ssyncadd.s32 $0xFFFFFE00  }
0x102: {  	_ =	swait.ge [sflag:s22], $0x200  }
0x103: {  	[sflag:s22] =	ssyncset.done $0x0  }
0x104: {  	[sflag:s22] =	ssyncadd.s32 $0xFFFFFE00  }
0x105: {  	_ =	swait.ge [sflag:s22], $0x200  }
0x106: {  	[sflag:s22] =	ssyncset.done $0x0  }
0x107: {  	[sflag:s22] =	ssyncadd.s32 $0xFFFFFE00  }
0x108: {  	_ =	swait.ge [sflag:s22], $0x200  }
0x109: {  	[sflag:s22] =	ssyncset.done $0x0  }
0x10a: {  	[sflag:s22] =	ssyncadd.s32 $0xFFFFFE00  }
0x10b: {  	_ =	swait.ge [sflag:s22], $0x200  }
0x10c: {  	[sflag:s22] =	ssyncset.done $0x0  }
0x10d: {  	[sflag:s22] =	ssyncadd.s32 $0xFFFFFE00  }
0x10e: {  	s10 =	simm.s32 $0x0;
	_ =	swait.ge [sflag:s22], $0x200  }
0x10f: {  	v16 =	vor.u32 s10, v7;
	[sflag:s22] =	ssyncset.done $0x0  }
0x110: {  	[sflag:s22] =	ssyncadd.s32 $0xFFFFFE00  }
0x111: {  	_ =	swait.ge [sflag:s22], $0x200  }
0x112: {  	[sflag:s22] =	ssyncset.done $0x0  }
0x113: {  	[sflag:s22] =	ssyncadd.s32 $0xFFFFFE00  }
0x114: {  	v15 =	vld.idx.msk [tilespmem:v16+s24+$0x0], $0xffff  }
0x115: {  	v18 =	vshll.u32 v16, $0x3;
	v17 =	vld.idx.msk [tilespmem:v16+s23+$0x0], $0xffff  }
0x116: {  	v19 =	vor.u32 v5, v18  }
0x117: {  	v20 =	vld.idx.msk [tilespmem:v16+s25+$0x0], $0xffff  }
0x118: {  	v47 =	vor.u32 v8, v18;
	_ =	sdelay $0x1  }
0x119: {  	v48 =	vor.u32 v9, v18;
	v49 =	vsub.f32 $1.000000000e+00, v17;
	v50 =	vsub.f32 $1.000000000e+00, v15  }
0x11a: {  	v19 =	vld.idx.msk [tilespmem:v19+s13+$0x0], $0xffff  }
0x11b: {  	v51 =	vor.u32 v10, v18;
	v26 =	vsub.f32 $1.000000000e+00, v20;
	v27 =	vmul.f32 v50, v49  }
0x11c: {  	v21 =	vld.idx.msk [tilespmem:v47+s13+$0x0], $0xffff  }
0x11d: {  	v28 =	vor.u32 v11, v18;
	v29 =	vmul.f32 v26, v27  }
0x11e: {  	v22 =	vld.idx.msk [tilespmem:v48+s13+$0x0], $0xffff;
	v23 =	vmul.f32 v15, v49  }
0x11f: {  	v30 =	vor.u32 v12, v18;
	v27 =	vmul.f32 v27, v20;
	v19 =	vmul.f32 v29, v19  }
0x120: {  	v52 =	vor.u32 v13, v18;
	v25 =	vld.idx.msk [tilespmem:v51+s13+$0x0], $0xffff  }
0x121: {  	v53 =	vmul.f32 v26, v23;
	v21 =	vmul.f32 v27, v21;
	v19 =	vadd.f32 $0.0e+00, v19  }
0x122: {  	v18 =	vor.u32 v14, v18;
	v28 =	vld.idx.msk [tilespmem:v28+s13+$0x0], $0xffff;
	v24 =	vmul.f32 v50, v17  }
0x123: {  	v55 =	vmul.f32 v20, v23;
	v54 =	vmul.f32 v22, v53;
	v19 =	vadd.f32 v19, v21  }
0x124: {  	v56 =	vld.idx.msk [tilespmem:v30+s13+$0x0], $0xffff  }
0x125: {  	v58 =	vmul.f32 v26, v24;
	v57 =	vmul.f32 v25, v55;
	v19 =	vadd.f32 v19, v54  }
0x126: {  	v59 =	vld.idx.msk [tilespmem:v52+s13+$0x0], $0xffff;
	v17 =	vmul.f32 v15, v17  }
0x127: {  	v60 =	vmul.f32 v24, v20;
	v15 =	vadd.f32 v19, v57;
	v19 =	vmul.f32 v28, v58  }
0x128: {  	v62 =	vld.idx.msk [tilespmem:v18+s13+$0x0], $0xffff  }
0x129: {  	s30 =	sshll.u32 s29, $0x1;
	v63 =	vmul.f32 v26, v17;
	v18 =	vadd.f32 v15, v19;
	v19 =	vmul.f32 v56, v60  }
0x12a: {  	v61 =	vor.u32 s30, v5;
	v16 =	vshll.u32 v16, $0x5;
	v20 =	vmul.f32 v20, v17  }
0x12b: {  	v15 =	vand.u32 $0x1F, v61;
	v18 =	vadd.f32 v18, v19;
	v19 =	vmul.f32 v59, v63  }
0x12c: {  	s31 =	simm.s32 $0x8;
	v17 =	vor.u32 v15, v16  }
0x12d: {  	v16 =	vor.u32 s31, v7;
	v18 =	vadd.f32 v18, v19;
	v19 =	vmul.f32 v62, v20  }
0x12e: {  	s0 =	simm.s32 $0x10  }
.LBB2_6:
0x12f: {  	p0 =	sne.s32 s0, $0x3F8;
	v18 =	vadd.f32 v18, v19;
	_ =	sdelay $0x1  }
0x130: {  	[tilespmem:v17+s26+$0x0] =	vst.idx.msk $0xffff, v18  }
0x131: {  	v17 =	vld.idx.msk [tilespmem:v16+s24+$0x0], $0xffff  }
0x132: {  	v19 =	vshll.u32 v16, $0x3;
	v18 =	vld.idx.msk [tilespmem:v16+s23+$0x0], $0xffff  }
0x133: {  	v20 =	vor.u32 v5, v19  }
0x134: {  	v21 =	vld.idx.msk [tilespmem:v16+s25+$0x0], $0xffff  }
0x135: {  	v22 =	vor.u32 v8, v19;
	_ =	sdelay $0x1  }
0x136: {  	v23 =	vor.u32 v9, v19  }
0x137: {  	v25 =	vsub.f32 $1.000000000e+00, v17;
	v24 =	vsub.f32 $1.000000000e+00, v18;
	v20 =	vld.idx.msk [tilespmem:v20+s13+$0x0], $0xffff  }
0x138: {  	v26 =	vor.u32 v10, v19  }
0x139: {  	v27 =	vsub.f32 $1.000000000e+00, v21;
	v28 =	vmul.f32 v25, v24;
	v22 =	vld.idx.msk [tilespmem:v22+s13+$0x0], $0xffff  }
0x13a: {  	v29 =	vor.u32 v11, v19  }
0x13b: {  	v30 =	vmul.f32 v27, v28;
	v23 =	vld.idx.msk [tilespmem:v23+s13+$0x0], $0xffff  }
0x13c: {  	v31 =	vor.u32 v12, v19;
	v24 =	vmul.f32 v17, v24  }
0x13d: {  	v28 =	vmul.f32 v28, v21;
	v20 =	vmul.f32 v30, v20;
	v26 =	vld.idx.msk [tilespmem:v26+s13+$0x0], $0xffff  }
0x13e: {  	v30 =	vor.u32 v13, v19  }
0x13f: {  	v20 =	vadd.f32 $0.0e+00, v20;
	v22 =	vmul.f32 v28, v22;
	v28 =	vmul.f32 v27, v24;
	v29 =	vld.idx.msk [tilespmem:v29+s13+$0x0], $0xffff  }
0x140: {  	v25 =	vmul.f32 v25, v18;
	v19 =	vor.u32 v14, v19  }
0x141: {  	v20 =	vadd.f32 v20, v22;
	v22 =	vmul.f32 v23, v28;
	v23 =	vmul.f32 v21, v24;
	v24 =	vld.idx.msk [tilespmem:v31+s13+$0x0], $0xffff;
	_ =	sdelay $0x1  }
0x142: {  	v20 =	vadd.f32 v20, v22;
	v22 =	vmul.f32 v26, v23;
	v23 =	vmul.f32 v27, v25;
	v26 =	vld.idx.msk [tilespmem:v30+s13+$0x0], $0xffff  }
0x143: {  	v17 =	vmul.f32 v17, v18  }
0x144: {  	v18 =	vadd.f32 v20, v22;
	v20 =	vmul.f32 v29, v23;
	v22 =	vmul.f32 v25, v21;
	v19 =	vld.idx.msk [tilespmem:v19+s13+$0x0], $0xffff;
	_ =	sdelay $0x1  }
0x145: {  	v18 =	vadd.f32 v18, v20;
	v20 =	vmul.f32 v24, v22;
	v22 =	vmul.f32 v27, v17  }
.Ltmp1:
0x146: {  	v16 =	vshll.u32 v16, $0x5;
	(pc) =	sbr.rel @p0 .LBB2_6-.Ltmp1, $4  }
0x147: {  	v21 =	vmul.f32 v21, v17;
	v18 =	vadd.f32 v18, v20;
	v20 =	vmul.f32 v26, v22  }
0x148: {  	v17 =	vor.u32 v15, v16  }
0x149: {  	v16 =	vor.u32 s0, v7;
	v18 =	vadd.f32 v18, v20;
	v19 =	vmul.f32 v19, v21  }
0x14a: {  	s0 =	sadd.s32 $0x8, s0  }
0x14b: {  	_ =	sdelay $0x1  }
0x14c: {  	v18 =	vadd.f32 v18, v19;
	_ =	sdelay $0x1  }
0x14d: {  	[tilespmem:v17+s26+$0x0] =	vst.idx.msk $0xffff, v18  }
0x14e: {  	v17 =	vld.idx.msk [tilespmem:v16+s24+$0x0], $0xffff  }
0x14f: {  	v47 =	vshll.u32 v16, $0x3;
	v18 =	vld.idx.msk [tilespmem:v16+s23+$0x0], $0xffff  }
0x150: {  	v20 =	vor.u32 v5, v47  }
0x151: {  	v21 =	vld.idx.msk [tilespmem:v16+s25+$0x0], $0xffff  }
0x152: {  	v22 =	vor.u32 v8, v47;
	_ =	sdelay $0x1  }
0x153: {  	v23 =	vor.u32 v9, v47;
	v24 =	vsub.f32 $1.000000000e+00, v18;
	v25 =	vsub.f32 $1.000000000e+00, v17  }
0x154: {  	v20 =	vld.idx.msk [tilespmem:v20+s13+$0x0], $0xffff  }
0x155: {  	v26 =	vor.u32 v10, v47;
	v27 =	vsub.f32 $1.000000000e+00, v21;
	v28 =	vmul.f32 v25, v24  }
0x156: {  	v22 =	vld.idx.msk [tilespmem:v22+s13+$0x0], $0xffff  }
0x157: {  	v29 =	vor.u32 v11, v47;
	v30 =	vmul.f32 v27, v28  }
0x158: {  	v23 =	vld.idx.msk [tilespmem:v23+s13+$0x0], $0xffff;
	v24 =	vmul.f32 v17, v24  }
0x159: {  	v31 =	vor.u32 v12, v47;
	v28 =	vmul.f32 v28, v21;
	v20 =	vmul.f32 v30, v20  }
0x15a: {  	v48 =	vor.u32 v13, v47;
	v26 =	vld.idx.msk [tilespmem:v26+s13+$0x0], $0xffff  }
0x15b: {  	v49 =	vmul.f32 v27, v24;
	v22 =	vmul.f32 v28, v22;
	v20 =	vadd.f32 $0.0e+00, v20  }
0x15c: {  	v19 =	vor.u32 v14, v47;
	v29 =	vld.idx.msk [tilespmem:v29+s13+$0x0], $0xffff;
	v25 =	vmul.f32 v25, v18  }
0x15d: {  	v51 =	vmul.f32 v21, v24;
	v50 =	vmul.f32 v23, v49;
	v20 =	vadd.f32 v20, v22  }
0x15e: {  	v52 =	vld.idx.msk [tilespmem:v31+s13+$0x0], $0xffff  }
0x15f: {  	v54 =	vmul.f32 v27, v25;
	v53 =	vmul.f32 v26, v51;
	v20 =	vadd.f32 v20, v50  }
0x160: {  	v55 =	vld.idx.msk [tilespmem:v48+s13+$0x0], $0xffff;
	v17 =	vmul.f32 v17, v18  }
0x161: {  	v58 =	vmul.f32 v25, v21;
	v57 =	vmul.f32 v29, v54;
	v56 =	vadd.f32 v20, v53  }
0x162: {  	v19 =	vld.idx.msk [tilespmem:v19+s13+$0x0], $0xffff  }
0x163: {  	v60 =	vmul.f32 v27, v17;
	v59 =	vmul.f32 v52, v58;
	v18 =	vadd.f32 v56, v57  }
0x164: {  	v61 =	vshll.u32 v16, $0x5  }
0x165: {  	s29 =	sadd.s32 $0x1, s29;
	v17 =	vmul.f32 v21, v17;
	v62 =	vmul.f32 v55, v60;
	v18 =	vadd.f32 v18, v59  }
0x166: {  	v15 =	vor.u32 v15, v61;
	p0 =	sne.s32 s29, $0x10  }
.Ltmp2:
0x167: {  	v17 =	vmul.f32 v19, v17;
	v63 =	vadd.f32 v18, v62;
	(pc) =	sbr.rel @p0 .LBB2_3-.Ltmp2, $3  }
0x168: {  	_ = 	snop  }
0x169: {  	v16 =	vadd.f32 v63, v17;
	_ =	sdelay $0x1  }
0x16a: {  	[tilespmem:v15+s26+$0x0] =	vst.idx.msk $0xffff, v16  }
0x16b: {  	s0 =	rddreg [dreg:$0x9]  }
0x16c: {  	s1 =	rddreg [dreg:$0x1];
	s0 =	sshll.u32 s0, $0x2  }
0x16d: {  	s3 =	simm.s32 $0x2;
	s0 =	sadd.s32 s1, s0  }
0x16e: {  	[hbm4b:s0+s2] =	stream.linear.scatter [tilespmem:s26], [sflag:$0x2], $0x8000, $0x38;
	[tilespmem:$0x1B900] =	vst v63  }
0x16f: {  	_ =	swait.ge [sflag:s3], $0x8000  }
0x170: {  	s31 =	rddreg [dreg:$0x8]  }
0x171: {  	s0 =	sadd.s32 $0x1, s31  }
0x172: {  	p0 =	sne.s32 s0, $0x20  }
.Ltmp3:
0x173: {  	_ = 	snop;
	(pc) =	sbr.rel @p0 .LBB2_2-.Ltmp3, $3  }
0x174: {  	_ =	sdelay $0x1  }
0x175: {  	[sflag:s3] =	ssyncset.done $0x0  }
0x176: {  	[sflag:s3] =	ssyncadd.s32 $0xFFFF8000  }
0x177: {  	s1 =	rddreg [dreg:$0x7]  }
0x178: {  	s0 =	rddreg [dreg:$0x6];
	s1 =	sadd.s32 $0x1, s1  }
0x179: {  	p0 =	sne.s32 s1, s0  }
.Ltmp4:
0x17a: {  	_ = 	snop;
	(pc) =	sbr.rel @p0 .LBB2_1-.Ltmp4, $1  }
0x17b: {  	_ =	sdelay $0x3  }
0x17c: {  	_ =	sfence.sel $0x180000  }
0x17d: {  	[bflag:$0x0] =	sbarrier.arrive $0xFFFF  }
0x17e: {  	_ =	strace $0x90000047  }
0x17f: {  	s0 =	stileid.u32;
	[bflag:$0x2] =	sbarrier.arrive $0xFFFF  }
0x180: {  	p0 =	sne.s32 s0, $0x0;
	s0 =	rddreg [dreg:$0x2]  }
0x181: {  	s0 =	sadd.s32 @!p0 $0x100000, s0  }
0x182: {  	[sflag:s0] =	ssyncadd.tile.s32 @!p0 $0x1;
	_ =	shalt  }
.Lfunc_end2:
_tile_overlayer_lowered:
.L_overlay_start_2:
0x183: {  	(tag) =	ssettag $0x2  }
0x184: {  	s0 =	rddreg [dreg:$0x0];
	s2 =	stileid.u32  }
0x185: {  	s1 =	rddreg [dreg:$0x1];
	p0 =	sne.s32 s2, $0x0  }
0x186: {  	s3 =	rddreg [dreg:$0x2];
	[bflag:$0x3] =	sbarrier.arrive $0xFFFF;
	s2 =	simm.s32 @!p0 $0x1C02  }
0x187: {  	[timem:s3], [sflag:s2] =	dma.local @!p0 [hbm:s0], s1  }
0x188: {  	s0 =	simm.s32 @!p0 $0x2  }
0x189: {  	_ =	swait.ge @!p0 [sflag:s0], s1  }
0x18a: {  	s1 =	ssub.s32 @!p0 $0x0, s1;
	[sflag:s0] =	ssyncset.done @!p0 $0x0  }
0x18b: {  	[sflag:s0] =	ssyncadd.s32 @!p0 s1  }
0x18c: {  	[bflag:$0x3] =	sbarrier.arrive $0xFFFF  }
0x18d: {  	_ =	shalt  }

// kernel: sparse-core-data-format-call.cloned.1.call-start
scs
called_computation_lowered:
.L_overlay_start_0:
0x0: {  	s2 =	sld [smem:$0x3FD9]  }
0x1: {  	s3 =	sld [smem:$0x3FFE];
	_ =	sdelay $0x1  }
0x2: {  	s1 =	srdreg.scid  }
0x3: {  	s0 =	sand.u32 $0x1, s1  }
0x4: {  	s18 =	sshll.u32 s0, $0xA;
	s2 =	sadd.s32 s3, s2  }
0x5: {  	s2 =	sadd.s32 s2, s18  }
0x6: {  	[smem:$0x3FC5] =	sst s2  }
0x7: {  	_ = 	snop  }
0x8: {  	s2 =	sld [smem:$0x3FD0];
	(tm) =	ssettm $0x1  }
0x9: {  	s19 =	sld [smem:$0x3FFB];
	_ =	sdelay $0x3  }
0xa: {  	_ =	strace s19  }
0xb: {  	s3 =	sld [smem:$0x3FFC];
	_ =	sdelay $0x3  }
0xc: {  	_ =	strace s3  }
0xd: {  	s3 =	sld [smem:$0x3FFD];
	_ =	sdelay $0x3  }
0xe: {  	_ =	strace s3  }
0xf: {  	_ =	strace $0x8FFFFFFF  }
0x10: {  	s20 =	sld [smem:$0x3FDB];
	_ =	sdelay $0x1  }
0x11: {  	s4 =	simm.s32 $_scs_section_size  }
0x12: {  	s5 =	simm.s32 $_size__tile_overlayer_lowered;
	s6 =	simm.s32 $_tile_overlayer_lowered  }
0x13: {  	s23 =	simm.s32 $0x1BFF;
	s22 =	sshll.u32 s6, $0x1;
	s3 =	sadd.s32 s4, s20  }
0x14: {  	s7 =	simm.s32 $0x0;
	s21 =	sshll.u32 s5, $0x1;
	s5 =	sadd.s32 s22, s3  }
0x15: {  	[timem:s7], [sflag:s23] =	dma.local [hbm:s5], s21  }
0x16: {  	_ =	swait.ge [sflag:s23], s21  }
0x17: {  	s4 =	ssub.s32 $0x0, s21;
	[sflag:s23] =	ssyncset.done $0x0  }
0x18: {  	[sflag:s23] =	ssyncadd.s32 s4;
	_ =	sdelay $0x1  }
0x19: {  	s24 =	simm.s32 $0x1B8B  }
0x1a: {  	_ =	swait.ge [sflag:s24], $0x1  }
0x1b: {  	[sflag:s24] =	ssyncset.done $0x0  }
0x1c: {  	s26 =	simm.s32 $0x1B8E;
	s25 =	sld [smem:$0x3FFE];
	[sflag:s24] =	ssyncadd.s32 $0xFFFFFFFF  }
0x1d: {  	s27 =	simm.s32 $execute0_lowered;
	[smem:$0x3FD2] =	sst s26  }
0x1e: {  	s5 =	sshll.u32 s27, $0x1;
	_ =	strace $0x80000049;
	[dreg:$0x1] =	wrdreg $0xFFFFFFFF  }
0x1f: {  	s28 =	simm.s32 $_size_execute0_lowered;
	s3 =	sadd.s32 s3, s5;
	[dreg:$0x0] =	wrdreg $0x0  }
0x20: {  	s5 =	sshll.u32 s28, $0x1;
	[dreg:$0x2] =	wrdreg s3  }
0x21: {  	[dreg:$0x3] =	wrdreg s5  }
0x22: {  	[dreg:$0x4] =	wrdreg $0xC0  }
0x23: {  	_ =	task [dreg:s7], $0x5FFFF  }
0x24: {  	[dreg:$0x1] =	wrdreg $0xFFFFFFFF  }
0x25: {  	[dreg:$0x0] =	wrdreg $0x60  }
0x26: {  	[dreg:$0x2] =	wrdreg s25  }
0x27: {  	[dreg:$0x3] =	wrdreg s2  }
0x28: {  	[dreg:$0x4] =	wrdreg $0x9  }
0x29: {  	_ =	task.clear_ibuf [dreg:s7], $0x5FFFF;
	_ =	strace $0x90000049  }
0x2a: {  	s29 =	simm.s32 $0x9;
	_ =	strace $0x8000004B  }
0x2b: {  	_ =	swait.ge [sflag:s29], $0x1  }
0x2c: {  	[sflag:s29] =	ssyncadd.s32 $0xFFFFFFFF  }
0x2d: {  	_ =	strace $0x9000004B  }
0x2e: {  	_ =	sfence  }
0x2f: {  	s30 =	sld [smem:$0x0];
	_ =	sdelay $0x2  }
0x30: {  	s31 =	sshll.u32 s1, $0xD;
	s1 =	sshrl.u32 s1, $0x2  }
0x31: {  	s3 =	sand.u32 $0x4000, s31;
	s1 =	sadd.s32 s1, s30  }
0x32: {  	s0 =	sor.u32 s3, s0;
	s1 =	sshll.u32 s1, $0x11  }
0x33: {  	s0 =	sor.u32 s1, s0  }
0x34: {  	s0 =	sadd.s32 $0x8F2B, s0  }
0x35: {  	[sflag:s0] =	ssyncadd.remote.s32 $0x1  }
0x36: {  	_ =	sfence.sel $0xFFFF  }
0x37: {  	[dreg:$0x0] =	wrdreg $0xFFFFFFFF;
	(pc) =	sbr.abs _section_cstart, $3  }
0x38: {  	[dreg:$0x1] =	wrdreg $0xFFFFFFFF  }
0x39: {  	_ =	task.clear_ibuf [dreg:s7], $0x2FFFF;
	_ =	strace $0x9FFFFFFF  }
0x3a: {  	(tm) =	ssettm $0x7FFFFFFF  }
0x3b: {  	_ =	shalt  }
tec
execute0_lowered:
.L_overlay_start_1:
0x0: {  	(tag) =	ssettag $0x1  }
0x1: {  	s0 =	srdreg.scid  }
0x2: {  	s1 =	sshll.u32 s0, $0x4  }
0x3: {  	s4 =	rddreg [dreg:$0x0];
	s0 =	stileid.u32;
	s1 =	sand.u32 $0x10, s1  }
0x4: {  	s2 =	rddreg [dreg:$0x1];
	s7 =	simm.s32 $0x1;
	s1 =	sor.u32 s0, s1  }
0x5: {  	s8 =	simm.s32 $0x2;
	s11 =	simm.s32 $0x0;
	s3 =	sshll.u32 s1, $0x7  }
0x6: {  	s10 =	simm.s32 $0x0;
	s4 =	sadd.s32 $0xC00, s4;
	s6 =	ssub.s32 $0x100000, s3  }
.Ltmp0:
0x7: {  	s1 =	rddreg [dreg:$0x2];
	s5 =	sand.u32 $0xF80, s6;
	(pc) =	sbr.rel .LBB1_1-.Ltmp0, $4  }
0x8: {  	_ =	strace $0x8000004A;
	s9 =	smov.u32 s3;
	p0 =	sne.s32 s5, $0x0  }
0x9: {  	s6 =	sshrl.u32 s6, $0xC;
	s5 =	simm.s32 $0x1;
	s7 =	simm.s32 @!p0 $0x0  }
0xa: {  	[sflag:s5] =	ssyncpa.u1 $0x0;
	p0 =	por $0x0, $0x0;
	s6 =	sadd.s32 s7, s6  }
0xb: {  	[sflag:s8] =	ssyncpa.u1 $0x0;
	s8 =	simm.s32 $0x800000;
	s7 =	sadd.s32 $0x1, s6  }
.LBB1_4:
0xc: {  	s13 =	sshll.u32 s11, $0x3  }
0xd: {  	s15 =	sand.u32 $0x78, s11;
	s13 =	sand.u32 $0xFFC00, s13  }
0xe: {  	s30 =	sand.u32 $0x3E0000, s11;
	s31 =	sand.u32 $0x7, s11;
	s13 =	sor.u32 s15, s13  }
0xf: {  	s11 =	sshll.u32 s31, $0x12;
	s15 =	sadd.s32 s2, s30;
	s13 =	sshrl.u32 s13, $0x3  }
0x10: {  	[tilespmem:s14+$0x0 ss:$0x81] =	vst.msk $0xffff, v0;
	s11 =	sor.u32 $0x400, s11;
	s13 =	sadd.s32 s13, s15  }
0x11: {  	[hbm4b:s13+s11] =	stream.strided.scatter [tilespmem:s12], [sflag:$0x2], $0x1000, s8, s11, $0x20;
	[tilespmem:$0x4040] =	vst v63  }
.LBB1_5:
0x12: {  	s13 =	sadd.s32 $0x1000, s9  }
0x13: {  	p2 =	sgt.s32 s13, $0xFFFFF  }
0x14: {  	s13 =	smov.u32 @p2 s3;
	p2 =	sne.s32 s10, s7  }
.Ltmp1:
0x15: {  	p1 =	slt.u32 s10, $0x2;
	(pc) =	sbr.rel @!p2 .LBB1_6-.Ltmp1, $4  }
0x16: {  	s12 =	simm.s32 @!p1 $0x2  }
0x17: {  	s14 =	sadd.s32 $0x1, s10;
	_ =	swait.ge @!p1 [sflag:s12], $0x1000  }
0x18: {  	s11 =	smov.u32 s9;
	p0 =	por !p0, !p0;
	[sflag:s12] =	ssyncset.done @!p1 $0x0  }
0x19: {  	s10 =	smov.u32 s14;
	s9 =	smov.u32 s13;
	[sflag:s12] =	ssyncadd.s32 @!p1 $0xFFFFF000  }
.LBB1_1:
0x1a: {  	p1 =	sge.u32 s10, s6  }
0x1b: {  	s31 =	sadd.s32 $0xFFFFFFFF, s10;
	s12 =	sxor.u32 @!p1 $0xFFFFFFFF, s10;
	s13 =	sshll.u32 @!p1 s9, $0x4  }
0x1c: {  	s14 =	simm.s32 @!p1 $0x20;
	s12 =	sshll.u32 @!p1 s12, $0xC;
	s13 =	sand.u32 @!p1 $0xFFFFF0, s13  }
0x1d: {  	s15 =	simm.s32 @!p1 $0x80;
	s12 =	sand.u32 @!p1 $0x1000, s12;
	s13 =	sadd.s32 @!p1 s4, s13  }
0x1e: {  	[tilespmem:s12], [sflag:$0x1] =	stream.strided.gather @!p1 [hbm4b:s13+s14], $0x1000, s15, s14, $0x38;
	[tilespmem:$0x4040] =	vst v63  }
0x1f: {  	p1 =	sge.u32 s31, s6  }
.Ltmp2:
0x20: {  	_ = 	snop;
	(pc) =	sbr.rel @p1 .LBB1_5-.Ltmp2, $1  }
0x21: {  	_ =	sdelay $0x3  }
0x22: {  	s12 =	simm.s32 $0x1  }
0x23: {  	_ =	swait.ge [sflag:s5], $0x1000;
	s12 =	simm.s32 @!p0 $0x0  }
0x24: {  	[sflag:s5] =	ssyncset.done $0x0;
	s13 =	sshll.u32 s12, $0xC  }
0x25: {  	[sflag:s5] =	ssyncadd.s32 $0xFFFFF000;
	s16 =	sor.u32 $0x10, s13  }
0x26: {  	s12 =	smul.u32 $0x4080, s12;
	v1 =	vld [tilespmem:s16+$0x0]  }
0x27: {  	s30 =	sand.u32 $0x1, s10;
	v0 =	vld [tilespmem:s16+$0xFFFFFFF0]  }
0x28: {  	s14 =	smul.u32 $0x4080, s30;
	s12 =	sshrl.u32 s12, $0x2  }
0x29: {  	s13 =	sor.u32 $0x2000, s12  }
0x2a: {  	s31 =	sshrl.u32 s14, $0x2;
	s14 =	sadd.s32 $0x0, s13  }
0x2b: {  	s15 =	simm.s32 $0x4;
	s16 =	sadd.s32 $0x20, s16;
	s12 =	sor.u32 $0x2000, s31;
	[tilespmem:s14+$0x810 ss:$0x81] =	vst.msk $0xffff, v1  }
.LBB1_3:
0x2c: {  	v1 =	vld [tilespmem:s16+$0x0];
	p1 =	sne.s32 s15, $0x1FC;
	[tilespmem:s14+$0x0 ss:$0x81] =	vst.msk $0xffff, v0;
	s14 =	smov.u32 s15;
	s15 =	sadd.s32 $0x4, s15  }
.Ltmp3:
0x2d: {  	v0 =	vld [tilespmem:s16+$0xFFFFFFF0];
	(pc) =	sbr.rel @p1 .LBB1_3-.Ltmp3, $4  }
0x2e: {  	_ = 	snop  }
0x2f: {  	s14 =	sshra.s32 s14, $0x2  }
0x30: {  	s14 =	sadd.s32 s14, s13  }
0x31: {  	s16 =	sadd.s32 $0x20, s16;
	[tilespmem:s14+$0x810 ss:$0x81] =	vst.msk $0xffff, v1  }
.Ltmp4:
0x32: {  	_ = 	snop;
	(pc) =	sbr.rel .LBB1_4-.Ltmp4, $1  }
0x33: {  	_ =	sdelay $0x3  }
.LBB1_6:
0x34: {  	_ =	sfence.sel $0x180000  }
0x35: {  	s2 =	simm.s32 $0x1;
	[bflag:$0x0] =	sbarrier.arrive $0xFFFF  }
0x36: {  	s31 =	simm.s32 $0x2;
	[sflag:s2] =	ssyncpa.u1 $0x1  }
0x37: {  	[sflag:s31] =	ssyncpa.u1 $0x1  }
0x38: {  	p0 =	sne.s32 s0, $0x0;
	_ =	strace $0x9000004A  }
0x39: {  	s0 =	sadd.s32 @!p0 $0x100000, s1;
	[bflag:$0x2] =	sbarrier.arrive $0xFFFF  }
0x3a: {  	[sflag:s0] =	ssyncadd.tile.s32 @!p0 $0x1;
	_ =	shalt  }
.Lfunc_end1:
_tile_overlayer_lowered:
.L_overlay_start_2:
0x3b: {  	(tag) =	ssettag $0x2  }
0x3c: {  	s0 =	rddreg [dreg:$0x0];
	s2 =	stileid.u32  }
0x3d: {  	s1 =	rddreg [dreg:$0x1];
	p0 =	sne.s32 s2, $0x0  }
0x3e: {  	s3 =	rddreg [dreg:$0x2];
	[bflag:$0x3] =	sbarrier.arrive $0xFFFF;
	s2 =	simm.s32 @!p0 $0x1C01  }
0x3f: {  	[timem:s3], [sflag:s2] =	dma.local @!p0 [hbm:s0], s1  }
0x40: {  	s0 =	simm.s32 @!p0 $0x1  }
0x41: {  	_ =	swait.ge @!p0 [sflag:s0], s1  }
0x42: {  	s1 =	ssub.s32 @!p0 $0x0, s1;
	[sflag:s0] =	ssyncset.done @!p0 $0x0  }
0x43: {  	[sflag:s0] =	ssyncadd.s32 @!p0 s1  }
0x44: {  	[bflag:$0x3] =	sbarrier.arrive $0xFFFF  }
0x45: {  	_ =	shalt  }

</sc_bundles>
